<compile_context>
chip_gen: v7x
topology: tpu7x:2x2x1
jax: 0.10.2.dev20260603
libtpu: 0.0.44.dev20260713+nightly
codegen_flags: <defaults>
</compile_context>

<pallas_src>
import functools
import jax
import jax.numpy as jnp
from jax import lax
from jax.experimental import pallas as pl
from jax.experimental.pallas import tpu as pltpu
from jax.experimental.pallas import tpu_sc as plsc

EPS = 1e-6
L = 16
NC, NS = 2, 16
NW = NC * NS


_GATHER_DN = lax.GatherDimensionNumbers(
    offset_dims=(), collapsed_slice_dims=(0,), start_index_map=(0,))


def _lane_perm(v, idx):
    return lax.gather(v, idx[:, None], _GATHER_DN, slice_sizes=(1,),
                      mode=lax.GatherScatterMode.PROMISE_IN_BOUNDS)


def _rsqrt_vec(x):
    i = lax.bitcast_convert_type(x, jnp.int32)
    i = jnp.int32(0x5F3759DF) - lax.shift_right_arithmetic(i, jnp.int32(1))
    y = lax.bitcast_convert_type(i, jnp.float32)
    half = x * 0.5
    for _ in range(3):
        y = y * (1.5 - half * y * y)
    return y


def _make_sc_kernel(B, T, H, G, UN):
    NB = 4
    rows = T // NW
    ng = rows // G
    ch = H // L
    mesh = plsc.VectorSubcoreMesh(core_axis_name="c", subcore_axis_name="s")

    @functools.partial(
        pl.kernel,
        out_type=jax.ShapeDtypeStruct((B, T, H), jnp.float32),
        mesh=mesh,
        compiler_params=pltpu.CompilerParams(needs_layout_passes=False),
        scratch_types=[
            pltpu.VMEM((NB, G, H), jnp.float32),
            pltpu.VMEM((NB, B, G, H), jnp.float32),
            pltpu.VMEM((H,), jnp.float32),
            pltpu.VMEM((H,), jnp.float32),
            pltpu.VMEM((2, G, L), jnp.float32),
            pltpu.SemaphoreType.DMA((NB,)),
            pltpu.SemaphoreType.DMA((NB,)),
            pltpu.SemaphoreType.DMA((NB,)),
        ],
    )
    def sc_kernel(x_hbm, tab_hbm, gamma_hbm, beta_hbm, out_hbm,
                  tab_v, io_v, g_v, b_v, st_v, tsem, isem, ssem):
        wid = lax.axis_index("s") * NC + lax.axis_index("c")
        base = wid * rows
        riota = lax.iota(jnp.int32, L)
        perms = [lax.rem(riota + k, jnp.int32(L)) for k in (8, 4, 2, 1)]
        zeros = jnp.zeros((L,), jnp.float32)

        def tab_cp(g, par):
            row0 = base + g * G
            return pltpu.make_async_copy(
                tab_hbm.at[pl.ds(row0, G), :], tab_v.at[par], tsem.at[par])

        def in_cps(g, par):
            row0 = base + g * G
            return [pltpu.make_async_copy(
                x_hbm.at[:, pl.ds(row0, G), :], io_v.at[par],
                isem.at[par])]

        def load_cps(g, par):
            return [tab_cp(g, par)] + in_cps(g, par)

        def store_cps(g, par):
            row0 = base + g * G
            return [pltpu.make_async_copy(
                io_v.at[par], out_hbm.at[:, pl.ds(row0, G), :],
                ssem.at[par])]

        for gg in range(min(2, ng)):
            for c in load_cps(gg, gg):
                c.start()
        pltpu.sync_copy(gamma_hbm, g_v)
        pltpu.sync_copy(beta_hbm, b_v)

        def group_body(g, carry):
            par = lax.rem(g, NB)
            pf = lax.rem(g + 2, NB)

            @pl.when(g >= 2)
            def _drain_prev_stores():
                for c in store_cps(g - 2, pf):
                    c.wait()

            @pl.when(g + 2 < ng)
            def _prefetch():
                for c in load_cps(g + 2, pf):
                    c.start()

            tab_cp(g, par).wait()

            def row_body(r, cr0):
                @plsc.parallel_loop(0, ch, 4, unroll=2, carry=(zeros,) * 8)
                def row_stats(c, cr):
                    out = list(cr)
                    for k in range(4):
                        v = tab_v[par, r, pl.ds((c + k) * L, L)]
                        out[k] = out[k] + v
                        out[4 + k] = out[4 + k] + v * v
                    return tuple(out)
                acc = row_stats[0] + row_stats[1] + row_stats[2] + row_stats[3]
                acc2 = row_stats[4] + row_stats[5] + row_stats[6] + row_stats[7]
                for p in perms:
                    acc = acc + _lane_perm(acc, p)
                    acc2 = acc2 + _lane_perm(acc2, p)
                mean_r = acc * (1.0 / H)
                var_r = acc2 * (1.0 / H) - mean_r * mean_r
                rstd_r = _rsqrt_vec(var_r + EPS)
                st_v[0, r, :] = rstd_r
                st_v[1, r, :] = mean_r * rstd_r
                return cr0
            lax.fori_loop(0, G, row_body, 0)
            rs = [st_v[0, r, :][0] for r in range(G)]
            mrs = [st_v[1, r, :][0] for r in range(G)]

            for c in in_cps(g, par):
                c.wait()

            @plsc.parallel_loop(0, ch, 1, unroll=UN)
            def f_body(c):
                sl = pl.ds(c * L, L)
                gv = g_v[sl]
                bv = b_v[sl]
                ts = [(tab_v[par, r, sl] * rs[r] - mrs[r]) * gv + bv
                      for r in range(G)]
                for r in range(G):
                    for b in range(B):
                        plsc.addupdate(io_v.at[par, b, r, sl], ts[r])

            for c in store_cps(g, par):
                c.start()
            return carry

        lax.fori_loop(0, ng, group_body, 0)
        for gg in range(max(0, ng - 2), ng):
            for c in store_cps(gg, gg % NB):
                c.wait()

    return sc_kernel


def kernel(inputs, table, gamma, beta, dimensions):
    B, T, H = inputs.shape
    sc = _make_sc_kernel(B, T, H, G=4, UN=4)
    return sc(inputs, table, gamma, beta)

# --- scband reference (transcript-rebuilt; emitter-appended) ---
"""Pipeline reference for scband-temporal-position-encoder-75196287418422 (READ-ONLY COPY).

The authoritative reference and input builder live on the scoring server;
editing this copy changes nothing except your own understanding.
"""

import jax, jax.numpy as jnp
import numpy as np

B, T, HIDDEN = 4, 2048, 1024
EPS = 1e-6


def setup_inputs(seed: int = 0) -> dict:
    key = jax.random.key(seed)
    k1, k2 = jax.random.split(key, 2)
    inputs = jax.random.normal(k1, (B, T, HIDDEN), dtype=jnp.float32)
    # learned params: temporal position embedding table + layernorm affine
    table = jax.random.normal(k2, (T, HIDDEN), dtype=jnp.float32) * 0.02
    gamma = jnp.ones((HIDDEN,), dtype=jnp.float32)
    beta = jnp.zeros((HIDDEN,), dtype=jnp.float32)
    # dimensions list [B, T, HIDDEN] -- only t (index 1) is used by forward
    dimensions = jnp.array([B, T, HIDDEN], dtype=jnp.int32)
    return {"inputs": inputs, "table": table, "gamma": gamma, "beta": beta, "dimensions": dimensions}


def reference(inputs, table, gamma, beta, dimensions):
    # t == max_temporal_buckets -> no interpolation branch; plain embedding lookup
    t = inputs.shape[1]
    ids = jnp.arange(t)
    emb = jnp.take(table, ids, axis=0)  # [t, hidden] gather
    # torch.nn.LayerNorm (biased variance) over last dim
    mean = jnp.mean(emb, axis=-1, keepdims=True)
    var = jnp.mean((emb - mean) ** 2, axis=-1, keepdims=True)
    emb = (emb - mean) / jnp.sqrt(var + EPS) * gamma + beta
    # dropout in eval mode == identity
    return inputs + emb[None, :, :]

if __name__ == "__main__":
    import jax
    _d = setup_inputs()
    print(jax.jit(kernel)(*tuple(_d.values())))

</pallas_src>

<mosaic_0001>
#map = affine_map<(d0, d1) -> (0, 0, 0)>
#map1 = affine_map<(d0, d1) -> (0, 0)>
#map2 = affine_map<(d0, d1) -> (0)>
module attributes {stable_mosaic.version = 14 : i64} {
  func.func @sc_kernel(%arg0: i32, %arg1: i32, %arg2: memref<4x2048x1024xf32, #tpu.memory_space<hbm>>, %arg3: memref<2048x1024xf32, #tpu.memory_space<hbm>>, %arg4: memref<1024xf32, #tpu.memory_space<hbm>>, %arg5: memref<1024xf32, #tpu.memory_space<hbm>>, %arg6: memref<4x2048x1024xf32, #tpu.memory_space<hbm>>, %arg7: memref<4x4x1024xf32, #tpu.memory_space<vmem>>, %arg8: memref<4x4x4x1024xf32, #tpu.memory_space<vmem>>, %arg9: memref<1024xf32, #tpu.memory_space<vmem>>, %arg10: memref<1024xf32, #tpu.memory_space<vmem>>, %arg11: memref<2x4x16xf32, #tpu.memory_space<vmem>>, %arg12: memref<4x!tpu.dma_semaphore, #tpu.memory_space<semaphore_mem>>, %arg13: memref<4x!tpu.dma_semaphore, #tpu.memory_space<semaphore_mem>>, %arg14: memref<4x!tpu.dma_semaphore, #tpu.memory_space<semaphore_mem>>) attributes {dimension_semantics = [#tpu.dimension_semantics<core_parallel>, #tpu.dimension_semantics<subcore_parallel>], iteration_bounds = array<i64: 2, 16>, scalar_prefetch = 0 : i64, scratch_operands = 8 : i64, tpu.core_type = #tpu.core_type<sc_vector_subcore>, window_params = [{transform_indices = #map}, {transform_indices = #map1}, {transform_indices = #map2}, {transform_indices = #map2}, {transform_indices = #map}]} {
    %mul3A = arith.constant 2 : i32
    %mul3A_0 = arith.muli %arg1, %mul3A : i32
    %add3A = arith.addi %mul3A_0, %arg0 : i32
    %mul3A_1 = arith.constant 64 : i32
    %mul3A_2 = arith.muli %add3A, %mul3A_1 : i32
    %iota3A = tpu.iota {dimensions = array<i32: 0>} : vector<16xi32>
    %add3A_3 = arith.constant 8 : i32
    %add3A_4 = vector.broadcast %add3A_3 : i32 to vector<16xi32>
    %add3A_5 = arith.addi %iota3A, %add3A_4 : vector<16xi32>
    %rem3A = arith.constant 16 : i32
    %rem3A_6 = vector.broadcast %rem3A : i32 to vector<16xi32>
    %rem3A_7 = arith.remsi %add3A_5, %rem3A_6 : vector<16xi32>
    %add3A_8 = arith.constant 4 : i32
    %add3A_9 = vector.broadcast %add3A_8 : i32 to vector<16xi32>
    %add3A_10 = arith.addi %iota3A, %add3A_9 : vector<16xi32>
    %rem3A_11 = arith.constant 16 : i32
    %rem3A_12 = vector.broadcast %rem3A_11 : i32 to vector<16xi32>
    %rem3A_13 = arith.remsi %add3A_10, %rem3A_12 : vector<16xi32>
    %add3A_14 = arith.constant 2 : i32
    %add3A_15 = vector.broadcast %add3A_14 : i32 to vector<16xi32>
    %add3A_16 = arith.addi %iota3A, %add3A_15 : vector<16xi32>
    %rem3A_17 = arith.constant 16 : i32
    %rem3A_18 = vector.broadcast %rem3A_17 : i32 to vector<16xi32>
    %rem3A_19 = arith.remsi %add3A_16, %rem3A_18 : vector<16xi32>
    %add3A_20 = arith.constant 1 : i32
    %add3A_21 = vector.broadcast %add3A_20 : i32 to vector<16xi32>
    %add3A_22 = arith.addi %iota3A, %add3A_21 : vector<16xi32>
    %rem3A_23 = arith.constant 16 : i32
    %rem3A_24 = vector.broadcast %rem3A_23 : i32 to vector<16xi32>
    %rem3A_25 = arith.remsi %add3A_22, %rem3A_24 : vector<16xi32>
    %broadcast_in_dim3A = arith.constant 0.000000e+00 : f32
    %broadcast_in_dim3A_26 = vector.broadcast %broadcast_in_dim3A : f32 to vector<16xf32>
    %add3A_27 = arith.constant 0 : i32
    %add3A_28 = arith.addi %mul3A_2, %add3A_27 : i32
    %add3A_29 = arith.constant 0 : i32
    %add3A_30 = arith.addi %mul3A_2, %add3A_29 : i32
    %dma_start3A = arith.constant 0 : i32
    %dma_start3A_31 = arith.constant 0 : i32
    %dma_start3A_32 = arith.constant 0 : i32
    %dma_start3A_33 = arith.constant 0 : i32
    %dma_start3A_34 = tpu.memref_slice %arg7[%dma_start3A, %dma_start3A_32, %dma_start3A_33] : memref<4x4x1024xf32, #tpu.memory_space<vmem>> -> memref<1x4x1024xf32, #tpu.memory_space<vmem>>
    %dma_start3A_35 = tpu.memref_squeeze %dma_start3A_34 : memref<1x4x1024xf32, #tpu.memory_space<vmem>> -> memref<4x1024xf32, #tpu.memory_space<vmem>>
    %dma_start3A_36 = arith.constant 0 : i32
    %dma_start3A_37 = tpu.memref_slice %arg3[%add3A_28, %dma_start3A_36] : memref<2048x1024xf32, #tpu.memory_space<hbm>> -> memref<4x1024xf32, #tpu.memory_space<hbm>>
    %dma_start3A_38 = tpu.memref_slice %arg12[%dma_start3A_31] : memref<4x!tpu.dma_semaphore, #tpu.memory_space<semaphore_mem>> -> memref<1x!tpu.dma_semaphore, #tpu.memory_space<semaphore_mem>>
    %dma_start3A_39 = tpu.memref_squeeze %dma_start3A_38 : memref<1x!tpu.dma_semaphore, #tpu.memory_space<semaphore_mem>> -> memref<!tpu.dma_semaphore, #tpu.memory_space<semaphore_mem>>
    %dma_start3A_40 = arith.constant 0 : i32
    %dma_start3A_41 = arith.constant 0 : i32
    %dma_start3A_42 = tpu.memref_slice %arg7[%dma_start3A, %dma_start3A_40, %dma_start3A_41] : memref<4x4x1024xf32, #tpu.memory_space<vmem>> -> memref<1x4x1024xf32, #tpu.memory_space<vmem>>
    %dma_start3A_43 = tpu.memref_squeeze %dma_start3A_42 : memref<1x4x1024xf32, #tpu.memory_space<vmem>> -> memref<4x1024xf32, #tpu.memory_space<vmem>>
    %dma_start3A_44 = arith.constant 0 : i32
    %dma_start3A_45 = tpu.memref_slice %arg3[%add3A_28, %dma_start3A_44] : memref<2048x1024xf32, #tpu.memory_space<hbm>> -> memref<4x1024xf32, #tpu.memory_space<hbm>>
    tpu.enqueue_dma source(%dma_start3A_45 : memref<4x1024xf32, #tpu.memory_space<hbm>>) target(%dma_start3A_43 : memref<4x1024xf32, #tpu.memory_space<vmem>>) target_semaphore(%dma_start3A_39 : memref<!tpu.dma_semaphore, #tpu.memory_space<semaphore_mem>>)
    %dma_start3A_46 = arith.constant 0 : i32
    %dma_start3A_47 = arith.constant 0 : i32
    %dma_start3A_48 = arith.constant 0 : i32
    %dma_start3A_49 = arith.constant 0 : i32
    %dma_start3A_50 = arith.constant 0 : i32
    %dma_start3A_51 = tpu.memref_slice %arg8[%dma_start3A_46, %dma_start3A_48, %dma_start3A_49, %dma_start3A_50] : memref<4x4x4x1024xf32, #tpu.memory_space<vmem>> -> memref<1x4x4x1024xf32, #tpu.memory_space<vmem>>
    %dma_start3A_52 = tpu.memref_squeeze %dma_start3A_51 : memref<1x4x4x1024xf32, #tpu.memory_space<vmem>> -> memref<4x4x1024xf32, #tpu.memory_space<vmem>>
    %dma_start3A_53 = arith.constant 0 : i32
    %dma_start3A_54 = arith.constant 0 : i32
    %dma_start3A_55 = tpu.memref_slice %arg2[%dma_start3A_53, %add3A_30, %dma_start3A_54] : memref<4x2048x1024xf32, #tpu.memory_space<hbm>> -> memref<4x4x1024xf32, #tpu.memory_space<hbm>>
    %dma_start3A_56 = tpu.memref_slice %arg13[%dma_start3A_47] : memref<4x!tpu.dma_semaphore, #tpu.memory_space<semaphore_mem>> -> memref<1x!tpu.dma_semaphore, #tpu.memory_space<semaphore_mem>>
    %dma_start3A_57 = tpu.memref_squeeze %dma_start3A_56 : memref<1x!tpu.dma_semaphore, #tpu.memory_space<semaphore_mem>> -> memref<!tpu.dma_semaphore, #tpu.memory_space<semaphore_mem>>
    %dma_start3A_58 = arith.constant 0 : i32
    %dma_start3A_59 = arith.constant 0 : i32
    %dma_start3A_60 = arith.constant 0 : i32
    %dma_start3A_61 = tpu.memref_slice %arg8[%dma_start3A_46, %dma_start3A_58, %dma_start3A_59, %dma_start3A_60] : memref<4x4x4x1024xf32, #tpu.memory_space<vmem>> -> memref<1x4x4x1024xf32, #tpu.memory_space<vmem>>
    %dma_start3A_62 = tpu.memref_squeeze %dma_start3A_61 : memref<1x4x4x1024xf32, #tpu.memory_space<vmem>> -> memref<4x4x1024xf32, #tpu.memory_space<vmem>>
    %dma_start3A_63 = arith.constant 0 : i32
    %dma_start3A_64 = arith.constant 0 : i32
    %dma_start3A_65 = tpu.memref_slice %arg2[%dma_start3A_63, %add3A_30, %dma_start3A_64] : memref<4x2048x1024xf32, #tpu.memory_space<hbm>> -> memref<4x4x1024xf32, #tpu.memory_space<hbm>>
    tpu.enqueue_dma source(%dma_start3A_65 : memref<4x4x1024xf32, #tpu.memory_space<hbm>>) target(%dma_start3A_62 : memref<4x4x1024xf32, #tpu.memory_space<vmem>>) target_semaphore(%dma_start3A_57 : memref<!tpu.dma_semaphore, #tpu.memory_space<semaphore_mem>>)
    %add3A_66 = arith.constant 4 : i32
    %add3A_67 = arith.addi %mul3A_2, %add3A_66 : i32
    %add3A_68 = arith.constant 4 : i32
    %add3A_69 = arith.addi %mul3A_2, %add3A_68 : i32
    %dma_start3A_70 = arith.constant 1 : i32
    %dma_start3A_71 = arith.constant 1 : i32
    %dma_start3A_72 = arith.constant 0 : i32
    %dma_start3A_73 = arith.constant 0 : i32
    %dma_start3A_74 = tpu.memref_slice %arg7[%dma_start3A_70, %dma_start3A_72, %dma_start3A_73] : memref<4x4x1024xf32, #tpu.memory_space<vmem>> -> memref<1x4x1024xf32, #tpu.memory_space<vmem>>
    %dma_start3A_75 = tpu.memref_squeeze %dma_start3A_74 : memref<1x4x1024xf32, #tpu.memory_space<vmem>> -> memref<4x1024xf32, #tpu.memory_space<vmem>>
    %dma_start3A_76 = arith.constant 0 : i32
    %dma_start3A_77 = tpu.memref_slice %arg3[%add3A_67, %dma_start3A_76] : memref<2048x1024xf32, #tpu.memory_space<hbm>> -> memref<4x1024xf32, #tpu.memory_space<hbm>>
    %dma_start3A_78 = tpu.memref_slice %arg12[%dma_start3A_71] : memref<4x!tpu.dma_semaphore, #tpu.memory_space<semaphore_mem>> -> memref<1x!tpu.dma_semaphore, #tpu.memory_space<semaphore_mem>>
    %dma_start3A_79 = tpu.memref_squeeze %dma_start3A_78 : memref<1x!tpu.dma_semaphore, #tpu.memory_space<semaphore_mem>> -> memref<!tpu.dma_semaphore, #tpu.memory_space<semaphore_mem>>
    %dma_start3A_80 = arith.constant 0 : i32
    %dma_start3A_81 = arith.constant 0 : i32
    %dma_start3A_82 = tpu.memref_slice %arg7[%dma_start3A_70, %dma_start3A_80, %dma_start3A_81] : memref<4x4x1024xf32, #tpu.memory_space<vmem>> -> memref<1x4x1024xf32, #tpu.memory_space<vmem>>
    %dma_start3A_83 = tpu.memref_squeeze %dma_start3A_82 : memref<1x4x1024xf32, #tpu.memory_space<vmem>> -> memref<4x1024xf32, #tpu.memory_space<vmem>>
    %dma_start3A_84 = arith.constant 0 : i32
    %dma_start3A_85 = tpu.memref_slice %arg3[%add3A_67, %dma_start3A_84] : memref<2048x1024xf32, #tpu.memory_space<hbm>> -> memref<4x1024xf32, #tpu.memory_space<hbm>>
    tpu.enqueue_dma source(%dma_start3A_85 : memref<4x1024xf32, #tpu.memory_space<hbm>>) target(%dma_start3A_83 : memref<4x1024xf32, #tpu.memory_space<vmem>>) target_semaphore(%dma_start3A_79 : memref<!tpu.dma_semaphore, #tpu.memory_space<semaphore_mem>>)
    %dma_start3A_86 = arith.constant 1 : i32
    %dma_start3A_87 = arith.constant 1 : i32
    %dma_start3A_88 = arith.constant 0 : i32
    %dma_start3A_89 = arith.constant 0 : i32
    %dma_start3A_90 = arith.constant 0 : i32
    %dma_start3A_91 = tpu.memref_slice %arg8[%dma_start3A_86, %dma_start3A_88, %dma_start3A_89, %dma_start3A_90] : memref<4x4x4x1024xf32, #tpu.memory_space<vmem>> -> memref<1x4x4x1024xf32, #tpu.memory_space<vmem>>
    %dma_start3A_92 = tpu.memref_squeeze %dma_start3A_91 : memref<1x4x4x1024xf32, #tpu.memory_space<vmem>> -> memref<4x4x1024xf32, #tpu.memory_space<vmem>>
    %dma_start3A_93 = arith.constant 0 : i32
    %dma_start3A_94 = arith.constant 0 : i32
    %dma_start3A_95 = tpu.memref_slice %arg2[%dma_start3A_93, %add3A_69, %dma_start3A_94] : memref<4x2048x1024xf32, #tpu.memory_space<hbm>> -> memref<4x4x1024xf32, #tpu.memory_space<hbm>>
    %dma_start3A_96 = tpu.memref_slice %arg13[%dma_start3A_87] : memref<4x!tpu.dma_semaphore, #tpu.memory_space<semaphore_mem>> -> memref<1x!tpu.dma_semaphore, #tpu.memory_space<semaphore_mem>>
    %dma_start3A_97 = tpu.memref_squeeze %dma_start3A_96 : memref<1x!tpu.dma_semaphore, #tpu.memory_space<semaphore_mem>> -> memref<!tpu.dma_semaphore, #tpu.memory_space<semaphore_mem>>
    %dma_start3A_98 = arith.constant 0 : i32
    %dma_start3A_99 = arith.constant 0 : i32
    %dma_start3A_100 = arith.constant 0 : i32
    %dma_start3A_101 = tpu.memref_slice %arg8[%dma_start3A_86, %dma_start3A_98, %dma_start3A_99, %dma_start3A_100] : memref<4x4x4x1024xf32, #tpu.memory_space<vmem>> -> memref<1x4x4x1024xf32, #tpu.memory_space<vmem>>
    %dma_start3A_102 = tpu.memref_squeeze %dma_start3A_101 : memref<1x4x4x1024xf32, #tpu.memory_space<vmem>> -> memref<4x4x1024xf32, #tpu.memory_space<vmem>>
    %dma_start3A_103 = arith.constant 0 : i32
    %dma_start3A_104 = arith.constant 0 : i32
    %dma_start3A_105 = tpu.memref_slice %arg2[%dma_start3A_103, %add3A_69, %dma_start3A_104] : memref<4x2048x1024xf32, #tpu.memory_space<hbm>> -> memref<4x4x1024xf32, #tpu.memory_space<hbm>>
    tpu.enqueue_dma source(%dma_start3A_105 : memref<4x4x1024xf32, #tpu.memory_space<hbm>>) target(%dma_start3A_102 : memref<4x4x1024xf32, #tpu.memory_space<vmem>>) target_semaphore(%dma_start3A_97 : memref<!tpu.dma_semaphore, #tpu.memory_space<semaphore_mem>>)
    "tpu.region"() ({
      %run_scoped3A = tpu.sem_alloc : memref<!tpu.dma_semaphore, #tpu.memory_space<semaphore_mem>>
      tpu.enqueue_dma source(%arg4 : memref<1024xf32, #tpu.memory_space<hbm>>) target(%arg9 : memref<1024xf32, #tpu.memory_space<vmem>>) target_semaphore(%run_scoped3A : memref<!tpu.dma_semaphore, #tpu.memory_space<semaphore_mem>>)
      tpu.wait_dma2 semaphore(%run_scoped3A : memref<!tpu.dma_semaphore, #tpu.memory_space<semaphore_mem>>) src(%arg4 : memref<1024xf32, #tpu.memory_space<hbm>>) dst(%arg9 : memref<1024xf32, #tpu.memory_space<vmem>>)
      tpu.yield
    }) : () -> ()
    "tpu.region"() ({
      %run_scoped3A = tpu.sem_alloc : memref<!tpu.dma_semaphore, #tpu.memory_space<semaphore_mem>>
      tpu.enqueue_dma source(%arg5 : memref<1024xf32, #tpu.memory_space<hbm>>) target(%arg10 : memref<1024xf32, #tpu.memory_space<vmem>>) target_semaphore(%run_scoped3A : memref<!tpu.dma_semaphore, #tpu.memory_space<semaphore_mem>>)
      tpu.wait_dma2 semaphore(%run_scoped3A : memref<!tpu.dma_semaphore, #tpu.memory_space<semaphore_mem>>) src(%arg5 : memref<1024xf32, #tpu.memory_space<hbm>>) dst(%arg10 : memref<1024xf32, #tpu.memory_space<vmem>>)
      tpu.yield
    }) : () -> ()
    %scan3A = arith.constant 0 : i32
    %scan3A_106 = arith.constant 0 : i32
    %scan3A_107 = arith.constant 16 : i32
    %scan3A_108 = arith.addi %scan3A_106, %scan3A_107 : i32
    %scan3A_109 = arith.constant 1 : i32
    scf.for %scan3A_154 = %scan3A_106 to %scan3A_108 step %scan3A_109  : i32 {
      %rem3A_155 = arith.constant 4 : i32
      %rem3A_156 = arith.remsi %scan3A_154, %rem3A_155 : i32
      %add3A_157 = arith.constant 2 : i32
      %add3A_158 = arith.addi %scan3A_154, %add3A_157 : i32
      %rem3A_159 = arith.constant 4 : i32
      %rem3A_160 = arith.remsi %add3A_158, %rem3A_159 : i32
      %ge3A = arith.constant 2 : i32
      %ge3A_161 = arith.cmpi sge, %scan3A_154, %ge3A : i32
      %convert_element_type3A = arith.extui %ge3A_161 : i1 to i32
      %cond3A = arith.constant 0 : i32
      %cond3A_162 = arith.cmpi ne, %convert_element_type3A, %cond3A : i32
      scf.if %cond3A_162 {
        %sub3A = arith.constant 2 : i32
        %sub3A_297 = arith.subi %scan3A_154, %sub3A : i32
        %mul3A_298 = arith.constant 4 : i32
        %mul3A_299 = arith.muli %sub3A_297, %mul3A_298 : i32
        %add3A_300 = arith.addi %mul3A_2, %mul3A_299 : i32
        %dma_wait3A_301 = arith.constant 0 : i32
        %dma_wait3A_302 = arith.constant 0 : i32
        %dma_wait3A_303 = arith.constant 0 : i32
        %dma_wait3A_304 = tpu.memref_slice %arg8[%rem3A_160, %dma_wait3A_301, %dma_wait3A_302, %dma_wait3A_303] : memref<4x4x4x1024xf32, #tpu.memory_space<vmem>> -> memref<1x4x4x1024xf32, #tpu.memory_space<vmem>>
        %dma_wait3A_305 = tpu.memref_squeeze %dma_wait3A_304 : memref<1x4x4x1024xf32, #tpu.memory_space<vmem>> -> memref<4x4x1024xf32, #tpu.memory_space<vmem>>
        %dma_wait3A_306 = arith.constant 0 : i32
        %dma_wait3A_307 = arith.constant 0 : i32
        %dma_wait3A_308 = tpu.memref_slice %arg6[%dma_wait3A_306, %add3A_300, %dma_wait3A_307] : memref<4x2048x1024xf32, #tpu.memory_space<hbm>> -> memref<4x4x1024xf32, #tpu.memory_space<hbm>>
        %dma_wait3A_309 = tpu.memref_slice %arg14[%rem3A_160] : memref<4x!tpu.dma_semaphore, #tpu.memory_space<semaphore_mem>> -> memref<1x!tpu.dma_semaphore, #tpu.memory_space<semaphore_mem>>
        %dma_wait3A_310 = tpu.memref_squeeze %dma_wait3A_309 : memref<1x!tpu.dma_semaphore, #tpu.memory_space<semaphore_mem>> -> memref<!tpu.dma_semaphore, #tpu.memory_space<semaphore_mem>>
        %dma_wait3A_311 = arith.constant 0 : i32
        %dma_wait3A_312 = arith.constant 0 : i32
        %dma_wait3A_313 = tpu.memref_slice %arg6[%dma_wait3A_311, %add3A_300, %dma_wait3A_312] : memref<4x2048x1024xf32, #tpu.memory_space<hbm>> -> memref<4x4x1024xf32, #tpu.memory_space<hbm>>
        %dma_wait3A_314 = arith.constant 0 : i32
        %dma_wait3A_315 = arith.constant 0 : i32
        %dma_wait3A_316 = arith.constant 0 : i32
        %dma_wait3A_317 = tpu.memref_slice %arg8[%rem3A_160, %dma_wait3A_314, %dma_wait3A_315, %dma_wait3A_316] : memref<4x4x4x1024xf32, #tpu.memory_space<vmem>> -> memref<1x4x4x1024xf32, #tpu.memory_space<vmem>>
        %dma_wait3A_318 = tpu.memref_squeeze %dma_wait3A_317 : memref<1x4x4x1024xf32, #tpu.memory_space<vmem>> -> memref<4x4x1024xf32, #tpu.memory_space<vmem>>
        tpu.wait_dma2 semaphore(%dma_wait3A_310 : memref<!tpu.dma_semaphore, #tpu.memory_space<semaphore_mem>>) src(%dma_wait3A_318 : memref<4x4x1024xf32, #tpu.memory_space<vmem>>) dst(%dma_wait3A_313 : memref<4x4x1024xf32, #tpu.memory_space<hbm>>)
      } else {
      }
      %add3A_163 = arith.constant 2 : i32
      %add3A_164 = arith.addi %scan3A_154, %add3A_163 : i32
      %lt3A = arith.constant 16 : i32
      %lt3A_165 = arith.cmpi slt, %add3A_164, %lt3A : i32
      %convert_element_type3A_166 = arith.extui %lt3A_165 : i1 to i32
      %cond3A_167 = arith.constant 0 : i32
      %cond3A_168 = arith.cmpi ne, %convert_element_type3A_166, %cond3A_167 : i32
      scf.if %cond3A_168 {
        %add3A_297 = arith.constant 2 : i32
        %add3A_298 = arith.addi %scan3A_154, %add3A_297 : i32
        %mul3A_299 = arith.constant 4 : i32
        %mul3A_300 = arith.muli %add3A_298, %mul3A_299 : i32
        %add3A_301 = arith.addi %mul3A_2, %mul3A_300 : i32
        %mul3A_302 = arith.constant 4 : i32
        %mul3A_303 = arith.muli %add3A_298, %mul3A_302 : i32
        %add3A_304 = arith.addi %mul3A_2, %mul3A_303 : i32
        %dma_start3A_305 = arith.constant 0 : i32
        %dma_start3A_306 = arith.constant 0 : i32
        %dma_start3A_307 = tpu.memref_slice %arg7[%rem3A_160, %dma_start3A_305, %dma_start3A_306] : memref<4x4x1024xf32, #tpu.memory_space<vmem>> -> memref<1x4x1024xf32, #tpu.memory_space<vmem>>
        %dma_start3A_308 = tpu.memref_squeeze %dma_start3A_307 : memref<1x4x1024xf32, #tpu.memory_space<vmem>> -> memref<4x1024xf32, #tpu.memory_space<vmem>>
        %dma_start3A_309 = arith.constant 0 : i32
        %dma_start3A_310 = tpu.memref_slice %arg3[%add3A_301, %dma_start3A_309] : memref<2048x1024xf32, #tpu.memory_space<hbm>> -> memref<4x1024xf32, #tpu.memory_space<hbm>>
        %dma_start3A_311 = tpu.memref_slice %arg12[%rem3A_160] : memref<4x!tpu.dma_semaphore, #tpu.memory_space<semaphore_mem>> -> memref<1x!tpu.dma_semaphore, #tpu.memory_space<semaphore_mem>>
        %dma_start3A_312 = tpu.memref_squeeze %dma_start3A_311 : memref<1x!tpu.dma_semaphore, #tpu.memory_space<semaphore_mem>> -> memref<!tpu.dma_semaphore, #tpu.memory_space<semaphore_mem>>
        %dma_start3A_313 = arith.constant 0 : i32
        %dma_start3A_314 = arith.constant 0 : i32
        %dma_start3A_315 = tpu.memref_slice %arg7[%rem3A_160, %dma_start3A_313, %dma_start3A_314] : memref<4x4x1024xf32, #tpu.memory_space<vmem>> -> memref<1x4x1024xf32, #tpu.memory_space<vmem>>
        %dma_start3A_316 = tpu.memref_squeeze %dma_start3A_315 : memref<1x4x1024xf32, #tpu.memory_space<vmem>> -> memref<4x1024xf32, #tpu.memory_space<vmem>>
        %dma_start3A_317 = arith.constant 0 : i32
        %dma_start3A_318 = tpu.memref_slice %arg3[%add3A_301, %dma_start3A_317] : memref<2048x1024xf32, #tpu.memory_space<hbm>> -> memref<4x1024xf32, #tpu.memory_space<hbm>>
        tpu.enqueue_dma source(%dma_start3A_318 : memref<4x1024xf32, #tpu.memory_space<hbm>>) target(%dma_start3A_316 : memref<4x1024xf32, #tpu.memory_space<vmem>>) target_semaphore(%dma_start3A_312 : memref<!tpu.dma_semaphore, #tpu.memory_space<semaphore_mem>>)
        %dma_start3A_319 = arith.constant 0 : i32
        %dma_start3A_320 = arith.constant 0 : i32
        %dma_start3A_321 = arith.constant 0 : i32
        %dma_start3A_322 = tpu.memref_slice %arg8[%rem3A_160, %dma_start3A_319, %dma_start3A_320, %dma_start3A_321] : memref<4x4x4x1024xf32, #tpu.memory_space<vmem>> -> memref<1x4x4x1024xf32, #tpu.memory_space<vmem>>
        %dma_start3A_323 = tpu.memref_squeeze %dma_start3A_322 : memref<1x4x4x1024xf32, #tpu.memory_space<vmem>> -> memref<4x4x1024xf32, #tpu.memory_space<vmem>>
        %dma_start3A_324 = arith.constant 0 : i32
        %dma_start3A_325 = arith.constant 0 : i32
        %dma_start3A_326 = tpu.memref_slice %arg2[%dma_start3A_324, %add3A_304, %dma_start3A_325] : memref<4x2048x1024xf32, #tpu.memory_space<hbm>> -> memref<4x4x1024xf32, #tpu.memory_space<hbm>>
        %dma_start3A_327 = tpu.memref_slice %arg13[%rem3A_160] : memref<4x!tpu.dma_semaphore, #tpu.memory_space<semaphore_mem>> -> memref<1x!tpu.dma_semaphore, #tpu.memory_space<semaphore_mem>>
        %dma_start3A_328 = tpu.memref_squeeze %dma_start3A_327 : memref<1x!tpu.dma_semaphore, #tpu.memory_space<semaphore_mem>> -> memref<!tpu.dma_semaphore, #tpu.memory_space<semaphore_mem>>
        %dma_start3A_329 = arith.constant 0 : i32
        %dma_start3A_330 = arith.constant 0 : i32
        %dma_start3A_331 = arith.constant 0 : i32
        %dma_start3A_332 = tpu.memref_slice %arg8[%rem3A_160, %dma_start3A_329, %dma_start3A_330, %dma_start3A_331] : memref<4x4x4x1024xf32, #tpu.memory_space<vmem>> -> memref<1x4x4x1024xf32, #tpu.memory_space<vmem>>
        %dma_start3A_333 = tpu.memref_squeeze %dma_start3A_332 : memref<1x4x4x1024xf32, #tpu.memory_space<vmem>> -> memref<4x4x1024xf32, #tpu.memory_space<vmem>>
        %dma_start3A_334 = arith.constant 0 : i32
        %dma_start3A_335 = arith.constant 0 : i32
        %dma_start3A_336 = tpu.memref_slice %arg2[%dma_start3A_334, %add3A_304, %dma_start3A_335] : memref<4x2048x1024xf32, #tpu.memory_space<hbm>> -> memref<4x4x1024xf32, #tpu.memory_space<hbm>>
        tpu.enqueue_dma source(%dma_start3A_336 : memref<4x4x1024xf32, #tpu.memory_space<hbm>>) target(%dma_start3A_333 : memref<4x4x1024xf32, #tpu.memory_space<vmem>>) target_semaphore(%dma_start3A_328 : memref<!tpu.dma_semaphore, #tpu.memory_space<semaphore_mem>>)
      } else {
      }
      %mul3A_169 = arith.constant 4 : i32
      %mul3A_170 = arith.muli %scan3A_154, %mul3A_169 : i32
      %add3A_171 = arith.addi %mul3A_2, %mul3A_170 : i32
      %dma_wait3A_172 = arith.constant 0 : i32
      %dma_wait3A_173 = arith.constant 0 : i32
      %dma_wait3A_174 = tpu.memref_slice %arg7[%rem3A_156, %dma_wait3A_172, %dma_wait3A_173] : memref<4x4x1024xf32, #tpu.memory_space<vmem>> -> memref<1x4x1024xf32, #tpu.memory_space<vmem>>
      %dma_wait3A_175 = tpu.memref_squeeze %dma_wait3A_174 : memref<1x4x1024xf32, #tpu.memory_space<vmem>> -> memref<4x1024xf32, #tpu.memory_space<vmem>>
      %dma_wait3A_176 = arith.constant 0 : i32
      %dma_wait3A_177 = tpu.memref_slice %arg3[%add3A_171, %dma_wait3A_176] : memref<2048x1024xf32, #tpu.memory_space<hbm>> -> memref<4x1024xf32, #tpu.memory_space<hbm>>
      %dma_wait3A_178 = tpu.memref_slice %arg12[%rem3A_156] : memref<4x!tpu.dma_semaphore, #tpu.memory_space<semaphore_mem>> -> memref<1x!tpu.dma_semaphore, #tpu.memory_space<semaphore_mem>>
      %dma_wait3A_179 = tpu.memref_squeeze %dma_wait3A_178 : memref<1x!tpu.dma_semaphore, #tpu.memory_space<semaphore_mem>> -> memref<!tpu.dma_semaphore, #tpu.memory_space<semaphore_mem>>
      %dma_wait3A_180 = arith.constant 0 : i32
      %dma_wait3A_181 = arith.constant 0 : i32
      %dma_wait3A_182 = tpu.memref_slice %arg7[%rem3A_156, %dma_wait3A_180, %dma_wait3A_181] : memref<4x4x1024xf32, #tpu.memory_space<vmem>> -> memref<1x4x1024xf32, #tpu.memory_space<vmem>>
      %dma_wait3A_183 = tpu.memref_squeeze %dma_wait3A_182 : memref<1x4x1024xf32, #tpu.memory_space<vmem>> -> memref<4x1024xf32, #tpu.memory_space<vmem>>
      %dma_wait3A_184 = arith.constant 0 : i32
      %dma_wait3A_185 = tpu.memref_slice %arg3[%add3A_171, %dma_wait3A_184] : memref<2048x1024xf32, #tpu.memory_space<hbm>> -> memref<4x1024xf32, #tpu.memory_space<hbm>>
      tpu.wait_dma2 semaphore(%dma_wait3A_179 : memref<!tpu.dma_semaphore, #tpu.memory_space<semaphore_mem>>) src(%dma_wait3A_185 : memref<4x1024xf32, #tpu.memory_space<hbm>>) dst(%dma_wait3A_183 : memref<4x1024xf32, #tpu.memory_space<vmem>>)
      %scan3A_186 = arith.constant 0 : i32
      %scan3A_187 = arith.constant 0 : i32
      %scan3A_188 = arith.constant 4 : i32
      %scan3A_189 = arith.addi %scan3A_187, %scan3A_188 : i32
      %scan3A_190 = arith.constant 1 : i32
      scf.for %scan3A_297 = %scan3A_187 to %scan3A_189 step %scan3A_190  : i32 {
        %parallel_loop3A_298 = arith.constant 0 : i32
        %parallel_loop3A_299 = arith.constant 64 : i32
        %parallel_loop3A_300 = arith.constant 4 : i32
        %parallel_loop3A_301:8 = scf.for %parallel_loop3A_386 = %parallel_loop3A_298 to %parallel_loop3A_299 step %parallel_loop3A_300 iter_args(%parallel_loop3A_387 = %broadcast_in_dim3A_26, %parallel_loop3A_388 = %broadcast_in_dim3A_26, %parallel_loop3A_389 = %broadcast_in_dim3A_26, %parallel_loop3A_390 = %broadcast_in_dim3A_26, %parallel_loop3A_391 = %broadcast_in_dim3A_26, %parallel_loop3A_392 = %broadcast_in_dim3A_26, %parallel_loop3A_393 = %broadcast_in_dim3A_26, %parallel_loop3A_394 = %broadcast_in_dim3A_26) -> (vector<16xf32>, vector<16xf32>, vector<16xf32>, vector<16xf32>, vector<16xf32>, vector<16xf32>, vector<16xf32>, vector<16xf32>)  : i32 {
          %parallel_loop3A_395 = arith.constant 0 : i32
          %parallel_loop3A_396 = arith.addi %parallel_loop3A_386, %parallel_loop3A_395 : i32
          %parallel_loop3A_397 = arith.constant 16 : i32
          %parallel_loop3A_398 = arith.muli %parallel_loop3A_396, %parallel_loop3A_397 : i32
          %parallel_loop3A_399 = arith.index_cast %rem3A_156 : i32 to index
          %parallel_loop3A_400 = arith.index_cast %scan3A_297 : i32 to index
          %parallel_loop3A_401 = arith.index_cast %parallel_loop3A_398 : i32 to index
          %parallel_loop3A_402 = tpu.vector_load %arg7[%parallel_loop3A_399, %parallel_loop3A_400, %parallel_loop3A_401] {strides = array<i32>} : memref<4x4x1024xf32, #tpu.memory_space<vmem>>, vector<16xf32>,
          %parallel_loop3A_403 = arith.addf %parallel_loop3A_387, %parallel_loop3A_402 : vector<16xf32>
          %parallel_loop3A_404 = arith.mulf %parallel_loop3A_402, %parallel_loop3A_402 : vector<16xf32>
          %parallel_loop3A_405 = arith.addf %parallel_loop3A_391, %parallel_loop3A_404 : vector<16xf32>
          %parallel_loop3A_406 = arith.constant 1 : i32
          %parallel_loop3A_407 = arith.addi %parallel_loop3A_386, %parallel_loop3A_406 : i32
          %parallel_loop3A_408 = arith.constant 16 : i32
          %parallel_loop3A_409 = arith.muli %parallel_loop3A_407, %parallel_loop3A_408 : i32
          %parallel_loop3A_410 = arith.index_cast %rem3A_156 : i32 to index
          %parallel_loop3A_411 = arith.index_cast %scan3A_297 : i32 to index
          %parallel_loop3A_412 = arith.index_cast %parallel_loop3A_409 : i32 to index
          %parallel_loop3A_413 = tpu.vector_load %arg7[%parallel_loop3A_410, %parallel_loop3A_411, %parallel_loop3A_412] {strides = array<i32>} : memref<4x4x1024xf32, #tpu.memory_space<vmem>>, vector<16xf32>,
          %parallel_loop3A_414 = arith.addf %parallel_loop3A_388, %parallel_loop3A_413 : vector<16xf32>
          %parallel_loop3A_415 = arith.mulf %parallel_loop3A_413, %parallel_loop3A_413 : vector<16xf32>
          %parallel_loop3A_416 = arith.addf %parallel_loop3A_392, %parallel_loop3A_415 : vector<16xf32>
          %parallel_loop3A_417 = arith.constant 2 : i32
          %parallel_loop3A_418 = arith.addi %parallel_loop3A_386, %parallel_loop3A_417 : i32
          %parallel_loop3A_419 = arith.constant 16 : i32
          %parallel_loop3A_420 = arith.muli %parallel_loop3A_418, %parallel_loop3A_419 : i32
          %parallel_loop3A_421 = arith.index_cast %rem3A_156 : i32 to index
          %parallel_loop3A_422 = arith.index_cast %scan3A_297 : i32 to index
          %parallel_loop3A_423 = arith.index_cast %parallel_loop3A_420 : i32 to index
          %parallel_loop3A_424 = tpu.vector_load %arg7[%parallel_loop3A_421, %parallel_loop3A_422, %parallel_loop3A_423] {strides = array<i32>} : memref<4x4x1024xf32, #tpu.memory_space<vmem>>, vector<16xf32>,
          %parallel_loop3A_425 = arith.addf %parallel_loop3A_389, %parallel_loop3A_424 : vector<16xf32>
          %parallel_loop3A_426 = arith.mulf %parallel_loop3A_424, %parallel_loop3A_424 : vector<16xf32>
          %parallel_loop3A_427 = arith.addf %parallel_loop3A_393, %parallel_loop3A_426 : vector<16xf32>
          %parallel_loop3A_428 = arith.constant 3 : i32
          %parallel_loop3A_429 = arith.addi %parallel_loop3A_386, %parallel_loop3A_428 : i32
          %parallel_loop3A_430 = arith.constant 16 : i32
          %parallel_loop3A_431 = arith.muli %parallel_loop3A_429, %parallel_loop3A_430 : i32
          %parallel_loop3A_432 = arith.index_cast %rem3A_156 : i32 to index
          %parallel_loop3A_433 = arith.index_cast %scan3A_297 : i32 to index
          %parallel_loop3A_434 = arith.index_cast %parallel_loop3A_431 : i32 to index
          %parallel_loop3A_435 = tpu.vector_load %arg7[%parallel_loop3A_432, %parallel_loop3A_433, %parallel_loop3A_434] {strides = array<i32>} : memref<4x4x1024xf32, #tpu.memory_space<vmem>>, vector<16xf32>,
          %parallel_loop3A_436 = arith.addf %parallel_loop3A_390, %parallel_loop3A_435 : vector<16xf32>
          %parallel_loop3A_437 = arith.mulf %parallel_loop3A_435, %parallel_loop3A_435 : vector<16xf32>
          %parallel_loop3A_438 = arith.addf %parallel_loop3A_394, %parallel_loop3A_437 : vector<16xf32>
          scf.yield %parallel_loop3A_403, %parallel_loop3A_414, %parallel_loop3A_425, %parallel_loop3A_436, %parallel_loop3A_405, %parallel_loop3A_416, %parallel_loop3A_427, %parallel_loop3A_438 : vector<16xf32>, vector<16xf32>, vector<16xf32>, vector<16xf32>, vector<16xf32>, vector<16xf32>, vector<16xf32>, vector<16xf32>
        } {sc.loop_unroll_factor = 2 : i64, sc.parallel_access}
        %add3A_302 = arith.addf %parallel_loop3A_301#0, %parallel_loop3A_301#1 : vector<16xf32>
        %add3A_303 = arith.addf %add3A_302, %parallel_loop3A_301#2 : vector<16xf32>
        %add3A_304 = arith.addf %add3A_303, %parallel_loop3A_301#3 : vector<16xf32>
        %add3A_305 = arith.addf %parallel_loop3A_301#4, %parallel_loop3A_301#5 : vector<16xf32>
        %add3A_306 = arith.addf %add3A_305, %parallel_loop3A_301#6 : vector<16xf32>
        %add3A_307 = arith.addf %add3A_306, %parallel_loop3A_301#7 : vector<16xf32>
        %broadcast_in_dim3A_308 = vector.shape_cast %rem3A_7 : vector<16xi32> to vector<16x1xi32>
        %gather3A = vector.shape_cast %broadcast_in_dim3A_308 : vector<16x1xi32> to vector<16xi32>
        %gather3A_309 = tpu.dynamic_gather %add3A_304[%gather3A] in [0] : vector<16xf32>, vector<16xi32> -> vector<16xf32>
        %add3A_310 = arith.addf %add3A_304, %gather3A_309 : vector<16xf32>
        %broadcast_in_dim3A_311 = vector.shape_cast %rem3A_7 : vector<16xi32> to vector<16x1xi32>
        %gather3A_312 = vector.shape_cast %broadcast_in_dim3A_311 : vector<16x1xi32> to vector<16xi32>
        %gather3A_313 = tpu.dynamic_gather %add3A_307[%gather3A_312] in [0] : vector<16xf32>, vector<16xi32> -> vector<16xf32>
        %add3A_314 = arith.addf %add3A_307, %gather3A_313 : vector<16xf32>
        %broadcast_in_dim3A_315 = vector.shape_cast %rem3A_13 : vector<16xi32> to vector<16x1xi32>
        %gather3A_316 = vector.shape_cast %broadcast_in_dim3A_315 : vector<16x1xi32> to vector<16xi32>
        %gather3A_317 = tpu.dynamic_gather %add3A_310[%gather3A_316] in [0] : vector<16xf32>, vector<16xi32> -> vector<16xf32>
        %add3A_318 = arith.addf %add3A_310, %gather3A_317 : vector<16xf32>
        %broadcast_in_dim3A_319 = vector.shape_cast %rem3A_13 : vector<16xi32> to vector<16x1xi32>
        %gather3A_320 = vector.shape_cast %broadcast_in_dim3A_319 : vector<16x1xi32> to vector<16xi32>
        %gather3A_321 = tpu.dynamic_gather %add3A_314[%gather3A_320] in [0] : vector<16xf32>, vector<16xi32> -> vector<16xf32>
        %add3A_322 = arith.addf %add3A_314, %gather3A_321 : vector<16xf32>
        %broadcast_in_dim3A_323 = vector.shape_cast %rem3A_19 : vector<16xi32> to vector<16x1xi32>
        %gather3A_324 = vector.shape_cast %broadcast_in_dim3A_323 : vector<16x1xi32> to vector<16xi32>
        %gather3A_325 = tpu.dynamic_gather %add3A_318[%gather3A_324] in [0] : vector<16xf32>, vector<16xi32> -> vector<16xf32>
        %add3A_326 = arith.addf %add3A_318, %gather3A_325 : vector<16xf32>
        %broadcast_in_dim3A_327 = vector.shape_cast %rem3A_19 : vector<16xi32> to vector<16x1xi32>
        %gather3A_328 = vector.shape_cast %broadcast_in_dim3A_327 : vector<16x1xi32> to vector<16xi32>
        %gather3A_329 = tpu.dynamic_gather %add3A_322[%gather3A_328] in [0] : vector<16xf32>, vector<16xi32> -> vector<16xf32>
        %add3A_330 = arith.addf %add3A_322, %gather3A_329 : vector<16xf32>
        %broadcast_in_dim3A_331 = vector.shape_cast %rem3A_25 : vector<16xi32> to vector<16x1xi32>
        %gather3A_332 = vector.shape_cast %broadcast_in_dim3A_331 : vector<16x1xi32> to vector<16xi32>
        %gather3A_333 = tpu.dynamic_gather %add3A_326[%gather3A_332] in [0] : vector<16xf32>, vector<16xi32> -> vector<16xf32>
        %add3A_334 = arith.addf %add3A_326, %gather3A_333 : vector<16xf32>
        %broadcast_in_dim3A_335 = vector.shape_cast %rem3A_25 : vector<16xi32> to vector<16x1xi32>
        %gather3A_336 = vector.shape_cast %broadcast_in_dim3A_335 : vector<16x1xi32> to vector<16xi32>
        %gather3A_337 = tpu.dynamic_gather %add3A_330[%gather3A_336] in [0] : vector<16xf32>, vector<16xi32> -> vector<16xf32>
        %add3A_338 = arith.addf %add3A_330, %gather3A_337 : vector<16xf32>
        %mul3A_339 = arith.constant 9.765625E-4 : f32
        %mul3A_340 = vector.broadcast %mul3A_339 : f32 to vector<16xf32>
        %mul3A_341 = arith.mulf %add3A_334, %mul3A_340 : vector<16xf32>
        %mul3A_342 = arith.constant 9.765625E-4 : f32
        %mul3A_343 = vector.broadcast %mul3A_342 : f32 to vector<16xf32>
        %mul3A_344 = arith.mulf %add3A_338, %mul3A_343 : vector<16xf32>
        %mul3A_345 = arith.mulf %mul3A_341, %mul3A_341 : vector<16xf32>
        %sub3A = arith.subf %mul3A_344, %mul3A_345 : vector<16xf32>
        %add3A_346 = arith.constant 9.99999997E-7 : f32
        %add3A_347 = vector.broadcast %add3A_346 : f32 to vector<16xf32>
        %add3A_348 = arith.addf %sub3A, %add3A_347 : vector<16xf32>
        %bitcast_convert_type3A = tpu.bitcast %add3A_348 : vector<16xf32> -> vector<16xi32>
        %shift_right_arithmetic3A = arith.constant 1 : i32
        %shift_right_arithmetic3A_349 = vector.broadcast %shift_right_arithmetic3A : i32 to vector<16xi32>
        %shift_right_arithmetic3A_350 = arith.shrsi %bitcast_convert_type3A, %shift_right_arithmetic3A_349 : vector<16xi32>
        %sub3A_351 = arith.constant 1597463007 : i32
        %sub3A_352 = vector.broadcast %sub3A_351 : i32 to vector<16xi32>
        %sub3A_353 = arith.subi %sub3A_352, %shift_right_arithmetic3A_350 : vector<16xi32>
        %bitcast_convert_type3A_354 = tpu.bitcast %sub3A_353 : vector<16xi32> -> vector<16xf32>
        %mul3A_355 = arith.constant 5.000000e-01 : f32
        %mul3A_356 = vector.broadcast %mul3A_355 : f32 to vector<16xf32>
        %mul3A_357 = arith.mulf %add3A_348, %mul3A_356 : vector<16xf32>
        %mul3A_358 = arith.mulf %mul3A_357, %bitcast_convert_type3A_354 : vector<16xf32>
        %mul3A_359 = arith.mulf %mul3A_358, %bitcast_convert_type3A_354 : vector<16xf32>
        %sub3A_360 = arith.constant 1.500000e+00 : f32
        %sub3A_361 = vector.broadcast %sub3A_360 : f32 to vector<16xf32>
        %sub3A_362 = arith.subf %sub3A_361, %mul3A_359 : vector<16xf32>
        %mul3A_363 = arith.mulf %bitcast_convert_type3A_354, %sub3A_362 : vector<16xf32>
        %mul3A_364 = arith.mulf %mul3A_357, %mul3A_363 : vector<16xf32>
        %mul3A_365 = arith.mulf %mul3A_364, %mul3A_363 : vector<16xf32>
        %sub3A_366 = arith.constant 1.500000e+00 : f32
        %sub3A_367 = vector.broadcast %sub3A_366 : f32 to vector<16xf32>
        %sub3A_368 = arith.subf %sub3A_367, %mul3A_365 : vector<16xf32>
        %mul3A_369 = arith.mulf %mul3A_363, %sub3A_368 : vector<16xf32>
        %mul3A_370 = arith.mulf %mul3A_357, %mul3A_369 : vector<16xf32>
        %mul3A_371 = arith.mulf %mul3A_370, %mul3A_369 : vector<16xf32>
        %sub3A_372 = arith.constant 1.500000e+00 : f32
        %sub3A_373 = vector.broadcast %sub3A_372 : f32 to vector<16xf32>
        %sub3A_374 = arith.subf %sub3A_373, %mul3A_371 : vector<16xf32>
        %mul3A_375 = arith.mulf %mul3A_369, %sub3A_374 : vector<16xf32>
        %swap3A = arith.constant 0 : i32
        %swap3A_376 = arith.index_cast %swap3A : i32 to index
        %swap3A_377 = arith.index_cast %scan3A_297 : i32 to index
        %swap3A_378 = arith.constant 0 : index
        %swap3A_379 = tpu.vector_load %arg11[%swap3A_376, %swap3A_377, %swap3A_378] {strides = array<i32>} : memref<2x4x16xf32, #tpu.memory_space<vmem>>, vector<16xf32>,
        tpu.vector_store %arg11[%swap3A_376, %swap3A_377, %swap3A_378], %mul3A_375 {strides = array<i32>} : memref<2x4x16xf32, #tpu.memory_space<vmem>>, vector<16xf32>,
        %mul3A_380 = arith.mulf %mul3A_341, %mul3A_375 : vector<16xf32>
        %swap3A_381 = arith.constant 1 : i32
        %swap3A_382 = arith.index_cast %swap3A_381 : i32 to index
        %swap3A_383 = arith.index_cast %scan3A_297 : i32 to index
        %swap3A_384 = arith.constant 0 : index
        %swap3A_385 = tpu.vector_load %arg11[%swap3A_382, %swap3A_383, %swap3A_384] {strides = array<i32>} : memref<2x4x16xf32, #tpu.memory_space<vmem>>, vector<16xf32>,
        tpu.vector_store %arg11[%swap3A_382, %swap3A_383, %swap3A_384], %mul3A_380 {strides = array<i32>} : memref<2x4x16xf32, #tpu.memory_space<vmem>>, vector<16xf32>,
      }
      %scan3A_191 = arith.constant 4 : i32
      %get3A = arith.constant 0 : i32
      %get3A_192 = arith.constant 0 : i32
      %get3A_193 = arith.index_cast %get3A : i32 to index
      %get3A_194 = arith.index_cast %get3A_192 : i32 to index
      %get3A_195 = arith.constant 0 : index
      %get3A_196 = tpu.vector_load %arg11[%get3A_193, %get3A_194, %get3A_195] {strides = array<i32>} : memref<2x4x16xf32, #tpu.memory_space<vmem>>, vector<16xf32>,
      %slice3A = vector.extract_strided_slice %get3A_196 {offsets = [0], sizes = [1], strides = [1]} : vector<16xf32> to vector<1xf32>
      %squeeze3A = vector.extract %slice3A[0] : f32 from vector<1xf32>
      %get3A_197 = arith.constant 0 : i32
      %get3A_198 = arith.constant 1 : i32
      %get3A_199 = arith.index_cast %get3A_197 : i32 to index
      %get3A_200 = arith.index_cast %get3A_198 : i32 to index
      %get3A_201 = arith.constant 0 : index
      %get3A_202 = tpu.vector_load %arg11[%get3A_199, %get3A_200, %get3A_201] {strides = array<i32>} : memref<2x4x16xf32, #tpu.memory_space<vmem>>, vector<16xf32>,
      %slice3A_203 = vector.extract_strided_slice %get3A_202 {offsets = [0], sizes = [1], strides = [1]} : vector<16xf32> to vector<1xf32>
      %squeeze3A_204 = vector.extract %slice3A_203[0] : f32 from vector<1xf32>
      %get3A_205 = arith.constant 0 : i32
      %get3A_206 = arith.constant 2 : i32
      %get3A_207 = arith.index_cast %get3A_205 : i32 to index
      %get3A_208 = arith.index_cast %get3A_206 : i32 to index
      %get3A_209 = arith.constant 0 : index
      %get3A_210 = tpu.vector_load %arg11[%get3A_207, %get3A_208, %get3A_209] {strides = array<i32>} : memref<2x4x16xf32, #tpu.memory_space<vmem>>, vector<16xf32>,
      %slice3A_211 = vector.extract_strided_slice %get3A_210 {offsets = [0], sizes = [1], strides = [1]} : vector<16xf32> to vector<1xf32>
      %squeeze3A_212 = vector.extract %slice3A_211[0] : f32 from vector<1xf32>
      %get3A_213 = arith.constant 0 : i32
      %get3A_214 = arith.constant 3 : i32
      %get3A_215 = arith.index_cast %get3A_213 : i32 to index
      %get3A_216 = arith.index_cast %get3A_214 : i32 to index
      %get3A_217 = arith.constant 0 : index
      %get3A_218 = tpu.vector_load %arg11[%get3A_215, %get3A_216, %get3A_217] {strides = array<i32>} : memref<2x4x16xf32, #tpu.memory_space<vmem>>, vector<16xf32>,
      %slice3A_219 = vector.extract_strided_slice %get3A_218 {offsets = [0], sizes = [1], strides = [1]} : vector<16xf32> to vector<1xf32>
      %squeeze3A_220 = vector.extract %slice3A_219[0] : f32 from vector<1xf32>
      %get3A_221 = arith.constant 1 : i32
      %get3A_222 = arith.constant 0 : i32
      %get3A_223 = arith.index_cast %get3A_221 : i32 to index
      %get3A_224 = arith.index_cast %get3A_222 : i32 to index
      %get3A_225 = arith.constant 0 : index
      %get3A_226 = tpu.vector_load %arg11[%get3A_223, %get3A_224, %get3A_225] {strides = array<i32>} : memref<2x4x16xf32, #tpu.memory_space<vmem>>, vector<16xf32>,
      %slice3A_227 = vector.extract_strided_slice %get3A_226 {offsets = [0], sizes = [1], strides = [1]} : vector<16xf32> to vector<1xf32>
      %squeeze3A_228 = vector.extract %slice3A_227[0] : f32 from vector<1xf32>
      %get3A_229 = arith.constant 1 : i32
      %get3A_230 = arith.constant 1 : i32
      %get3A_231 = arith.index_cast %get3A_229 : i32 to index
      %get3A_232 = arith.index_cast %get3A_230 : i32 to index
      %get3A_233 = arith.constant 0 : index
      %get3A_234 = tpu.vector_load %arg11[%get3A_231, %get3A_232, %get3A_233] {strides = array<i32>} : memref<2x4x16xf32, #tpu.memory_space<vmem>>, vector<16xf32>,
      %slice3A_235 = vector.extract_strided_slice %get3A_234 {offsets = [0], sizes = [1], strides = [1]} : vector<16xf32> to vector<1xf32>
      %squeeze3A_236 = vector.extract %slice3A_235[0] : f32 from vector<1xf32>
      %get3A_237 = arith.constant 1 : i32
      %get3A_238 = arith.constant 2 : i32
      %get3A_239 = arith.index_cast %get3A_237 : i32 to index
      %get3A_240 = arith.index_cast %get3A_238 : i32 to index
      %get3A_241 = arith.constant 0 : index
      %get3A_242 = tpu.vector_load %arg11[%get3A_239, %get3A_240, %get3A_241] {strides = array<i32>} : memref<2x4x16xf32, #tpu.memory_space<vmem>>, vector<16xf32>,
      %slice3A_243 = vector.extract_strided_slice %get3A_242 {offsets = [0], sizes = [1], strides = [1]} : vector<16xf32> to vector<1xf32>
      %squeeze3A_244 = vector.extract %slice3A_243[0] : f32 from vector<1xf32>
      %get3A_245 = arith.constant 1 : i32
      %get3A_246 = arith.constant 3 : i32
      %get3A_247 = arith.index_cast %get3A_245 : i32 to index
      %get3A_248 = arith.index_cast %get3A_246 : i32 to index
      %get3A_249 = arith.constant 0 : index
      %get3A_250 = tpu.vector_load %arg11[%get3A_247, %get3A_248, %get3A_249] {strides = array<i32>} : memref<2x4x16xf32, #tpu.memory_space<vmem>>, vector<16xf32>,
      %slice3A_251 = vector.extract_strided_slice %get3A_250 {offsets = [0], sizes = [1], strides = [1]} : vector<16xf32> to vector<1xf32>
      %squeeze3A_252 = vector.extract %slice3A_251[0] : f32 from vector<1xf32>
      %mul3A_253 = arith.constant 4 : i32
      %mul3A_254 = arith.muli %scan3A_154, %mul3A_253 : i32
      %add3A_255 = arith.addi %mul3A_2, %mul3A_254 : i32
      %dma_wait3A_256 = arith.constant 0 : i32
      %dma_wait3A_257 = arith.constant 0 : i32
      %dma_wait3A_258 = arith.constant 0 : i32
      %dma_wait3A_259 = tpu.memref_slice %arg8[%rem3A_156, %dma_wait3A_256, %dma_wait3A_257, %dma_wait3A_258] : memref<4x4x4x1024xf32, #tpu.memory_space<vmem>> -> memref<1x4x4x1024xf32, #tpu.memory_space<vmem>>
      %dma_wait3A_260 = tpu.memref_squeeze %dma_wait3A_259 : memref<1x4x4x1024xf32, #tpu.memory_space<vmem>> -> memref<4x4x1024xf32, #tpu.memory_space<vmem>>
      %dma_wait3A_261 = arith.constant 0 : i32
      %dma_wait3A_262 = arith.constant 0 : i32
      %dma_wait3A_263 = tpu.memref_slice %arg2[%dma_wait3A_261, %add3A_255, %dma_wait3A_262] : memref<4x2048x1024xf32, #tpu.memory_space<hbm>> -> memref<4x4x1024xf32, #tpu.memory_space<hbm>>
      %dma_wait3A_264 = tpu.memref_slice %arg13[%rem3A_156] : memref<4x!tpu.dma_semaphore, #tpu.memory_space<semaphore_mem>> -> memref<1x!tpu.dma_semaphore, #tpu.memory_space<semaphore_mem>>
      %dma_wait3A_265 = tpu.memref_squeeze %dma_wait3A_264 : memref<1x!tpu.dma_semaphore, #tpu.memory_space<semaphore_mem>> -> memref<!tpu.dma_semaphore, #tpu.memory_space<semaphore_mem>>
      %dma_wait3A_266 = arith.constant 0 : i32
      %dma_wait3A_267 = arith.constant 0 : i32
      %dma_wait3A_268 = arith.constant 0 : i32
      %dma_wait3A_269 = tpu.memref_slice %arg8[%rem3A_156, %dma_wait3A_266, %dma_wait3A_267, %dma_wait3A_268] : memref<4x4x4x1024xf32, #tpu.memory_space<vmem>> -> memref<1x4x4x1024xf32, #tpu.memory_space<vmem>>
      %dma_wait3A_270 = tpu.memref_squeeze %dma_wait3A_269 : memref<1x4x4x1024xf32, #tpu.memory_space<vmem>> -> memref<4x4x1024xf32, #tpu.memory_space<vmem>>
      %dma_wait3A_271 = arith.constant 0 : i32
      %dma_wait3A_272 = arith.constant 0 : i32
      %dma_wait3A_273 = tpu.memref_slice %arg2[%dma_wait3A_271, %add3A_255, %dma_wait3A_272] : memref<4x2048x1024xf32, #tpu.memory_space<hbm>> -> memref<4x4x1024xf32, #tpu.memory_space<hbm>>
      tpu.wait_dma2 semaphore(%dma_wait3A_265 : memref<!tpu.dma_semaphore, #tpu.memory_space<semaphore_mem>>) src(%dma_wait3A_273 : memref<4x4x1024xf32, #tpu.memory_space<hbm>>) dst(%dma_wait3A_270 : memref<4x4x1024xf32, #tpu.memory_space<vmem>>)
      %parallel_loop3A = arith.constant 0 : i32
      %parallel_loop3A_274 = arith.constant 64 : i32
      %parallel_loop3A_275 = arith.constant 1 : i32
      scf.for %parallel_loop3A_297 = %parallel_loop3A to %parallel_loop3A_274 step %parallel_loop3A_275  : i32 {
        %parallel_loop3A_298 = arith.constant 16 : i32
        %parallel_loop3A_299 = arith.muli %parallel_loop3A_297, %parallel_loop3A_298 : i32
        %parallel_loop3A_300 = arith.index_cast %parallel_loop3A_299 : i32 to index
        %parallel_loop3A_301 = tpu.vector_load %arg9[%parallel_loop3A_300] {strides = array<i32>} : memref<1024xf32, #tpu.memory_space<vmem>>, vector<16xf32>,
        %parallel_loop3A_302 = arith.index_cast %parallel_loop3A_299 : i32 to index
        %parallel_loop3A_303 = tpu.vector_load %arg10[%parallel_loop3A_302] {strides = array<i32>} : memref<1024xf32, #tpu.memory_space<vmem>>, vector<16xf32>,
        %parallel_loop3A_304 = arith.constant 0 : i32
        %parallel_loop3A_305 = arith.index_cast %rem3A_156 : i32 to index
        %parallel_loop3A_306 = arith.index_cast %parallel_loop3A_304 : i32 to index
        %parallel_loop3A_307 = arith.index_cast %parallel_loop3A_299 : i32 to index
        %parallel_loop3A_308 = tpu.vector_load %arg7[%parallel_loop3A_305, %parallel_loop3A_306, %parallel_loop3A_307] {strides = array<i32>} : memref<4x4x1024xf32, #tpu.memory_space<vmem>>, vector<16xf32>,
        %parallel_loop3A_309 = vector.broadcast %squeeze3A : f32 to vector<16xf32>
        %parallel_loop3A_310 = arith.mulf %parallel_loop3A_308, %parallel_loop3A_309 : vector<16xf32>
        %parallel_loop3A_311 = vector.broadcast %squeeze3A_228 : f32 to vector<16xf32>
        %parallel_loop3A_312 = arith.subf %parallel_loop3A_310, %parallel_loop3A_311 : vector<16xf32>
        %parallel_loop3A_313 = arith.mulf %parallel_loop3A_312, %parallel_loop3A_301 : vector<16xf32>
        %parallel_loop3A_314 = arith.addf %parallel_loop3A_313, %parallel_loop3A_303 : vector<16xf32>
        %parallel_loop3A_315 = arith.constant 1 : i32
        %parallel_loop3A_316 = arith.index_cast %rem3A_156 : i32 to index
        %parallel_loop3A_317 = arith.index_cast %parallel_loop3A_315 : i32 to index
        %parallel_loop3A_318 = arith.index_cast %parallel_loop3A_299 : i32 to index
        %parallel_loop3A_319 = tpu.vector_load %arg7[%parallel_loop3A_316, %parallel_loop3A_317, %parallel_loop3A_318] {strides = array<i32>} : memref<4x4x1024xf32, #tpu.memory_space<vmem>>, vector<16xf32>,
        %parallel_loop3A_320 = vector.broadcast %squeeze3A_204 : f32 to vector<16xf32>
        %parallel_loop3A_321 = arith.mulf %parallel_loop3A_319, %parallel_loop3A_320 : vector<16xf32>
        %parallel_loop3A_322 = vector.broadcast %squeeze3A_236 : f32 to vector<16xf32>
        %parallel_loop3A_323 = arith.subf %parallel_loop3A_321, %parallel_loop3A_322 : vector<16xf32>
        %parallel_loop3A_324 = arith.mulf %parallel_loop3A_323, %parallel_loop3A_301 : vector<16xf32>
        %parallel_loop3A_325 = arith.addf %parallel_loop3A_324, %parallel_loop3A_303 : vector<16xf32>
        %parallel_loop3A_326 = arith.constant 2 : i32
        %parallel_loop3A_327 = arith.index_cast %rem3A_156 : i32 to index
        %parallel_loop3A_328 = arith.index_cast %parallel_loop3A_326 : i32 to index
        %parallel_loop3A_329 = arith.index_cast %parallel_loop3A_299 : i32 to index
        %parallel_loop3A_330 = tpu.vector_load %arg7[%parallel_loop3A_327, %parallel_loop3A_328, %parallel_loop3A_329] {strides = array<i32>} : memref<4x4x1024xf32, #tpu.memory_space<vmem>>, vector<16xf32>,
        %parallel_loop3A_331 = vector.broadcast %squeeze3A_212 : f32 to vector<16xf32>
        %parallel_loop3A_332 = arith.mulf %parallel_loop3A_330, %parallel_loop3A_331 : vector<16xf32>
        %parallel_loop3A_333 = vector.broadcast %squeeze3A_244 : f32 to vector<16xf32>
        %parallel_loop3A_334 = arith.subf %parallel_loop3A_332, %parallel_loop3A_333 : vector<16xf32>
        %parallel_loop3A_335 = arith.mulf %parallel_loop3A_334, %parallel_loop3A_301 : vector<16xf32>
        %parallel_loop3A_336 = arith.addf %parallel_loop3A_335, %parallel_loop3A_303 : vector<16xf32>
        %parallel_loop3A_337 = arith.constant 3 : i32
        %parallel_loop3A_338 = arith.index_cast %rem3A_156 : i32 to index
        %parallel_loop3A_339 = arith.index_cast %parallel_loop3A_337 : i32 to index
        %parallel_loop3A_340 = arith.index_cast %parallel_loop3A_299 : i32 to index
        %parallel_loop3A_341 = tpu.vector_load %arg7[%parallel_loop3A_338, %parallel_loop3A_339, %parallel_loop3A_340] {strides = array<i32>} : memref<4x4x1024xf32, #tpu.memory_space<vmem>>, vector<16xf32>,
        %parallel_loop3A_342 = vector.broadcast %squeeze3A_220 : f32 to vector<16xf32>
        %parallel_loop3A_343 = arith.mulf %parallel_loop3A_341, %parallel_loop3A_342 : vector<16xf32>
        %parallel_loop3A_344 = vector.broadcast %squeeze3A_252 : f32 to vector<16xf32>
        %parallel_loop3A_345 = arith.subf %parallel_loop3A_343, %parallel_loop3A_344 : vector<16xf32>
        %parallel_loop3A_346 = arith.mulf %parallel_loop3A_345, %parallel_loop3A_301 : vector<16xf32>
        %parallel_loop3A_347 = arith.addf %parallel_loop3A_346, %parallel_loop3A_303 : vector<16xf32>
        %parallel_loop3A_348 = arith.constant 0 : i32
        %parallel_loop3A_349 = arith.constant 0 : i32
        %parallel_loop3A_350 = arith.index_cast %rem3A_156 : i32 to index
        %parallel_loop3A_351 = arith.index_cast %parallel_loop3A_348 : i32 to index
        %parallel_loop3A_352 = arith.index_cast %parallel_loop3A_349 : i32 to index
        %parallel_loop3A_353 = arith.index_cast %parallel_loop3A_299 : i32 to index
        %parallel_loop3A_354 = tpu.vector_load %arg8[%parallel_loop3A_350, %parallel_loop3A_351, %parallel_loop3A_352, %parallel_loop3A_353] {strides = array<i32>} : memref<4x4x4x1024xf32, #tpu.memory_space<vmem>>, vector<16xf32>,
        tpu.vector_store %arg8[%parallel_loop3A_350, %parallel_loop3A_351, %parallel_loop3A_352, %parallel_loop3A_353], %parallel_loop3A_314 {add = true, strides = array<i32>} : memref<4x4x4x1024xf32, #tpu.memory_space<vmem>>, vector<16xf32>,
        %parallel_loop3A_355 = arith.constant 1 : i32
        %parallel_loop3A_356 = arith.constant 0 : i32
        %parallel_loop3A_357 = arith.index_cast %rem3A_156 : i32 to index
        %parallel_loop3A_358 = arith.index_cast %parallel_loop3A_355 : i32 to index
        %parallel_loop3A_359 = arith.index_cast %parallel_loop3A_356 : i32 to index
        %parallel_loop3A_360 = arith.index_cast %parallel_loop3A_299 : i32 to index
        %parallel_loop3A_361 = tpu.vector_load %arg8[%parallel_loop3A_357, %parallel_loop3A_358, %parallel_loop3A_359, %parallel_loop3A_360] {strides = array<i32>} : memref<4x4x4x1024xf32, #tpu.memory_space<vmem>>, vector<16xf32>,
        tpu.vector_store %arg8[%parallel_loop3A_357, %parallel_loop3A_358, %parallel_loop3A_359, %parallel_loop3A_360], %parallel_loop3A_314 {add = true, strides = array<i32>} : memref<4x4x4x1024xf32, #tpu.memory_space<vmem>>, vector<16xf32>,
        %parallel_loop3A_362 = arith.constant 2 : i32
        %parallel_loop3A_363 = arith.constant 0 : i32
        %parallel_loop3A_364 = arith.index_cast %rem3A_156 : i32 to index
        %parallel_loop3A_365 = arith.index_cast %parallel_loop3A_362 : i32 to index
        %parallel_loop3A_366 = arith.index_cast %parallel_loop3A_363 : i32 to index
        %parallel_loop3A_367 = arith.index_cast %parallel_loop3A_299 : i32 to index
        %parallel_loop3A_368 = tpu.vector_load %arg8[%parallel_loop3A_364, %parallel_loop3A_365, %parallel_loop3A_366, %parallel_loop3A_367] {strides = array<i32>} : memref<4x4x4x1024xf32, #tpu.memory_space<vmem>>, vector<16xf32>,
        tpu.vector_store %arg8[%parallel_loop3A_364, %parallel_loop3A_365, %parallel_loop3A_366, %parallel_loop3A_367], %parallel_loop3A_314 {add = true, strides = array<i32>} : memref<4x4x4x1024xf32, #tpu.memory_space<vmem>>, vector<16xf32>,
        %parallel_loop3A_369 = arith.constant 3 : i32
        %parallel_loop3A_370 = arith.constant 0 : i32
        %parallel_loop3A_371 = arith.index_cast %rem3A_156 : i32 to index
        %parallel_loop3A_372 = arith.index_cast %parallel_loop3A_369 : i32 to index
        %parallel_loop3A_373 = arith.index_cast %parallel_loop3A_370 : i32 to index
        %parallel_loop3A_374 = arith.index_cast %parallel_loop3A_299 : i32 to index
        %parallel_loop3A_375 = tpu.vector_load %arg8[%parallel_loop3A_371, %parallel_loop3A_372, %parallel_loop3A_373, %parallel_loop3A_374] {strides = array<i32>} : memref<4x4x4x1024xf32, #tpu.memory_space<vmem>>, vector<16xf32>,
        tpu.vector_store %arg8[%parallel_loop3A_371, %parallel_loop3A_372, %parallel_loop3A_373, %parallel_loop3A_374], %parallel_loop3A_314 {add = true, strides = array<i32>} : memref<4x4x4x1024xf32, #tpu.memory_space<vmem>>, vector<16xf32>,
        %parallel_loop3A_376 = arith.constant 0 : i32
        %parallel_loop3A_377 = arith.constant 1 : i32
        %parallel_loop3A_378 = arith.index_cast %rem3A_156 : i32 to index
        %parallel_loop3A_379 = arith.index_cast %parallel_loop3A_376 : i32 to index
        %parallel_loop3A_380 = arith.index_cast %parallel_loop3A_377 : i32 to index
        %parallel_loop3A_381 = arith.index_cast %parallel_loop3A_299 : i32 to index
        %parallel_loop3A_382 = tpu.vector_load %arg8[%parallel_loop3A_378, %parallel_loop3A_379, %parallel_loop3A_380, %parallel_loop3A_381] {strides = array<i32>} : memref<4x4x4x1024xf32, #tpu.memory_space<vmem>>, vector<16xf32>,
        tpu.vector_store %arg8[%parallel_loop3A_378, %parallel_loop3A_379, %parallel_loop3A_380, %parallel_loop3A_381], %parallel_loop3A_325 {add = true, strides = array<i32>} : memref<4x4x4x1024xf32, #tpu.memory_space<vmem>>, vector<16xf32>,
        %parallel_loop3A_383 = arith.constant 1 : i32
        %parallel_loop3A_384 = arith.constant 1 : i32
        %parallel_loop3A_385 = arith.index_cast %rem3A_156 : i32 to index
        %parallel_loop3A_386 = arith.index_cast %parallel_loop3A_383 : i32 to index
        %parallel_loop3A_387 = arith.index_cast %parallel_loop3A_384 : i32 to index
        %parallel_loop3A_388 = arith.index_cast %parallel_loop3A_299 : i32 to index
        %parallel_loop3A_389 = tpu.vector_load %arg8[%parallel_loop3A_385, %parallel_loop3A_386, %parallel_loop3A_387, %parallel_loop3A_388] {strides = array<i32>} : memref<4x4x4x1024xf32, #tpu.memory_space<vmem>>, vector<16xf32>,
        tpu.vector_store %arg8[%parallel_loop3A_385, %parallel_loop3A_386, %parallel_loop3A_387, %parallel_loop3A_388], %parallel_loop3A_325 {add = true, strides = array<i32>} : memref<4x4x4x1024xf32, #tpu.memory_space<vmem>>, vector<16xf32>,
        %parallel_loop3A_390 = arith.constant 2 : i32
        %parallel_loop3A_391 = arith.constant 1 : i32
        %parallel_loop3A_392 = arith.index_cast %rem3A_156 : i32 to index
        %parallel_loop3A_393 = arith.index_cast %parallel_loop3A_390 : i32 to index
        %parallel_loop3A_394 = arith.index_cast %parallel_loop3A_391 : i32 to index
        %parallel_loop3A_395 = arith.index_cast %parallel_loop3A_299 : i32 to index
        %parallel_loop3A_396 = tpu.vector_load %arg8[%parallel_loop3A_392, %parallel_loop3A_393, %parallel_loop3A_394, %parallel_loop3A_395] {strides = array<i32>} : memref<4x4x4x1024xf32, #tpu.memory_space<vmem>>, vector<16xf32>,
        tpu.vector_store %arg8[%parallel_loop3A_392, %parallel_loop3A_393, %parallel_loop3A_394, %parallel_loop3A_395], %parallel_loop3A_325 {add = true, strides = array<i32>} : memref<4x4x4x1024xf32, #tpu.memory_space<vmem>>, vector<16xf32>,
        %parallel_loop3A_397 = arith.constant 3 : i32
        %parallel_loop3A_398 = arith.constant 1 : i32
        %parallel_loop3A_399 = arith.index_cast %rem3A_156 : i32 to index
        %parallel_loop3A_400 = arith.index_cast %parallel_loop3A_397 : i32 to index
        %parallel_loop3A_401 = arith.index_cast %parallel_loop3A_398 : i32 to index
        %parallel_loop3A_402 = arith.index_cast %parallel_loop3A_299 : i32 to index
        %parallel_loop3A_403 = tpu.vector_load %arg8[%parallel_loop3A_399, %parallel_loop3A_400, %parallel_loop3A_401, %parallel_loop3A_402] {strides = array<i32>} : memref<4x4x4x1024xf32, #tpu.memory_space<vmem>>, vector<16xf32>,
        tpu.vector_store %arg8[%parallel_loop3A_399, %parallel_loop3A_400, %parallel_loop3A_401, %parallel_loop3A_402], %parallel_loop3A_325 {add = true, strides = array<i32>} : memref<4x4x4x1024xf32, #tpu.memory_space<vmem>>, vector<16xf32>,
        %parallel_loop3A_404 = arith.constant 0 : i32
        %parallel_loop3A_405 = arith.constant 2 : i32
        %parallel_loop3A_406 = arith.index_cast %rem3A_156 : i32 to index
        %parallel_loop3A_407 = arith.index_cast %parallel_loop3A_404 : i32 to index
        %parallel_loop3A_408 = arith.index_cast %parallel_loop3A_405 : i32 to index
        %parallel_loop3A_409 = arith.index_cast %parallel_loop3A_299 : i32 to index
        %parallel_loop3A_410 = tpu.vector_load %arg8[%parallel_loop3A_406, %parallel_loop3A_407, %parallel_loop3A_408, %parallel_loop3A_409] {strides = array<i32>} : memref<4x4x4x1024xf32, #tpu.memory_space<vmem>>, vector<16xf32>,
        tpu.vector_store %arg8[%parallel_loop3A_406, %parallel_loop3A_407, %parallel_loop3A_408, %parallel_loop3A_409], %parallel_loop3A_336 {add = true, strides = array<i32>} : memref<4x4x4x1024xf32, #tpu.memory_space<vmem>>, vector<16xf32>,
        %parallel_loop3A_411 = arith.constant 1 : i32
        %parallel_loop3A_412 = arith.constant 2 : i32
        %parallel_loop3A_413 = arith.index_cast %rem3A_156 : i32 to index
        %parallel_loop3A_414 = arith.index_cast %parallel_loop3A_411 : i32 to index
        %parallel_loop3A_415 = arith.index_cast %parallel_loop3A_412 : i32 to index
        %parallel_loop3A_416 = arith.index_cast %parallel_loop3A_299 : i32 to index
        %parallel_loop3A_417 = tpu.vector_load %arg8[%parallel_loop3A_413, %parallel_loop3A_414, %parallel_loop3A_415, %parallel_loop3A_416] {strides = array<i32>} : memref<4x4x4x1024xf32, #tpu.memory_space<vmem>>, vector<16xf32>,
        tpu.vector_store %arg8[%parallel_loop3A_413, %parallel_loop3A_414, %parallel_loop3A_415, %parallel_loop3A_416], %parallel_loop3A_336 {add = true, strides = array<i32>} : memref<4x4x4x1024xf32, #tpu.memory_space<vmem>>, vector<16xf32>,
        %parallel_loop3A_418 = arith.constant 2 : i32
        %parallel_loop3A_419 = arith.constant 2 : i32
        %parallel_loop3A_420 = arith.index_cast %rem3A_156 : i32 to index
        %parallel_loop3A_421 = arith.index_cast %parallel_loop3A_418 : i32 to index
        %parallel_loop3A_422 = arith.index_cast %parallel_loop3A_419 : i32 to index
        %parallel_loop3A_423 = arith.index_cast %parallel_loop3A_299 : i32 to index
        %parallel_loop3A_424 = tpu.vector_load %arg8[%parallel_loop3A_420, %parallel_loop3A_421, %parallel_loop3A_422, %parallel_loop3A_423] {strides = array<i32>} : memref<4x4x4x1024xf32, #tpu.memory_space<vmem>>, vector<16xf32>,
        tpu.vector_store %arg8[%parallel_loop3A_420, %parallel_loop3A_421, %parallel_loop3A_422, %parallel_loop3A_423], %parallel_loop3A_336 {add = true, strides = array<i32>} : memref<4x4x4x1024xf32, #tpu.memory_space<vmem>>, vector<16xf32>,
        %parallel_loop3A_425 = arith.constant 3 : i32
        %parallel_loop3A_426 = arith.constant 2 : i32
        %parallel_loop3A_427 = arith.index_cast %rem3A_156 : i32 to index
        %parallel_loop3A_428 = arith.index_cast %parallel_loop3A_425 : i32 to index
        %parallel_loop3A_429 = arith.index_cast %parallel_loop3A_426 : i32 to index
        %parallel_loop3A_430 = arith.index_cast %parallel_loop3A_299 : i32 to index
        %parallel_loop3A_431 = tpu.vector_load %arg8[%parallel_loop3A_427, %parallel_loop3A_428, %parallel_loop3A_429, %parallel_loop3A_430] {strides = array<i32>} : memref<4x4x4x1024xf32, #tpu.memory_space<vmem>>, vector<16xf32>,
        tpu.vector_store %arg8[%parallel_loop3A_427, %parallel_loop3A_428, %parallel_loop3A_429, %parallel_loop3A_430], %parallel_loop3A_336 {add = true, strides = array<i32>} : memref<4x4x4x1024xf32, #tpu.memory_space<vmem>>, vector<16xf32>,
        %parallel_loop3A_432 = arith.constant 0 : i32
        %parallel_loop3A_433 = arith.constant 3 : i32
        %parallel_loop3A_434 = arith.index_cast %rem3A_156 : i32 to index
        %parallel_loop3A_435 = arith.index_cast %parallel_loop3A_432 : i32 to index
        %parallel_loop3A_436 = arith.index_cast %parallel_loop3A_433 : i32 to index
        %parallel_loop3A_437 = arith.index_cast %parallel_loop3A_299 : i32 to index
        %parallel_loop3A_438 = tpu.vector_load %arg8[%parallel_loop3A_434, %parallel_loop3A_435, %parallel_loop3A_436, %parallel_loop3A_437] {strides = array<i32>} : memref<4x4x4x1024xf32, #tpu.memory_space<vmem>>, vector<16xf32>,
        tpu.vector_store %arg8[%parallel_loop3A_434, %parallel_loop3A_435, %parallel_loop3A_436, %parallel_loop3A_437], %parallel_loop3A_347 {add = true, strides = array<i32>} : memref<4x4x4x1024xf32, #tpu.memory_space<vmem>>, vector<16xf32>,
        %parallel_loop3A_439 = arith.constant 1 : i32
        %parallel_loop3A_440 = arith.constant 3 : i32
        %parallel_loop3A_441 = arith.index_cast %rem3A_156 : i32 to index
        %parallel_loop3A_442 = arith.index_cast %parallel_loop3A_439 : i32 to index
        %parallel_loop3A_443 = arith.index_cast %parallel_loop3A_440 : i32 to index
        %parallel_loop3A_444 = arith.index_cast %parallel_loop3A_299 : i32 to index
        %parallel_loop3A_445 = tpu.vector_load %arg8[%parallel_loop3A_441, %parallel_loop3A_442, %parallel_loop3A_443, %parallel_loop3A_444] {strides = array<i32>} : memref<4x4x4x1024xf32, #tpu.memory_space<vmem>>, vector<16xf32>,
        tpu.vector_store %arg8[%parallel_loop3A_441, %parallel_loop3A_442, %parallel_loop3A_443, %parallel_loop3A_444], %parallel_loop3A_347 {add = true, strides = array<i32>} : memref<4x4x4x1024xf32, #tpu.memory_space<vmem>>, vector<16xf32>,
        %parallel_loop3A_446 = arith.constant 2 : i32
        %parallel_loop3A_447 = arith.constant 3 : i32
        %parallel_loop3A_448 = arith.index_cast %rem3A_156 : i32 to index
        %parallel_loop3A_449 = arith.index_cast %parallel_loop3A_446 : i32 to index
        %parallel_loop3A_450 = arith.index_cast %parallel_loop3A_447 : i32 to index
        %parallel_loop3A_451 = arith.index_cast %parallel_loop3A_299 : i32 to index
        %parallel_loop3A_452 = tpu.vector_load %arg8[%parallel_loop3A_448, %parallel_loop3A_449, %parallel_loop3A_450, %parallel_loop3A_451] {strides = array<i32>} : memref<4x4x4x1024xf32, #tpu.memory_space<vmem>>, vector<16xf32>,
        tpu.vector_store %arg8[%parallel_loop3A_448, %parallel_loop3A_449, %parallel_loop3A_450, %parallel_loop3A_451], %parallel_loop3A_347 {add = true, strides = array<i32>} : memref<4x4x4x1024xf32, #tpu.memory_space<vmem>>, vector<16xf32>,
        %parallel_loop3A_453 = arith.constant 3 : i32
        %parallel_loop3A_454 = arith.constant 3 : i32
        %parallel_loop3A_455 = arith.index_cast %rem3A_156 : i32 to index
        %parallel_loop3A_456 = arith.index_cast %parallel_loop3A_453 : i32 to index
        %parallel_loop3A_457 = arith.index_cast %parallel_loop3A_454 : i32 to index
        %parallel_loop3A_458 = arith.index_cast %parallel_loop3A_299 : i32 to index
        %parallel_loop3A_459 = tpu.vector_load %arg8[%parallel_loop3A_455, %parallel_loop3A_456, %parallel_loop3A_457, %parallel_loop3A_458] {strides = array<i32>} : memref<4x4x4x1024xf32, #tpu.memory_space<vmem>>, vector<16xf32>,
        tpu.vector_store %arg8[%parallel_loop3A_455, %parallel_loop3A_456, %parallel_loop3A_457, %parallel_loop3A_458], %parallel_loop3A_347 {add = true, strides = array<i32>} : memref<4x4x4x1024xf32, #tpu.memory_space<vmem>>, vector<16xf32>,
      } {sc.loop_unroll_factor = 4 : i64, sc.parallel_access}
      %mul3A_276 = arith.constant 4 : i32
      %mul3A_277 = arith.muli %scan3A_154, %mul3A_276 : i32
      %add3A_278 = arith.addi %mul3A_2, %mul3A_277 : i32
      %dma_start3A_279 = arith.constant 0 : i32
      %dma_start3A_280 = arith.constant 0 : i32
      %dma_start3A_281 = arith.constant 0 : i32
      %dma_start3A_282 = tpu.memref_slice %arg8[%rem3A_156, %dma_start3A_279, %dma_start3A_280, %dma_start3A_281] : memref<4x4x4x1024xf32, #tpu.memory_space<vmem>> -> memref<1x4x4x1024xf32, #tpu.memory_space<vmem>>
      %dma_start3A_283 = tpu.memref_squeeze %dma_start3A_282 : memref<1x4x4x1024xf32, #tpu.memory_space<vmem>> -> memref<4x4x1024xf32, #tpu.memory_space<vmem>>
      %dma_start3A_284 = arith.constant 0 : i32
      %dma_start3A_285 = arith.constant 0 : i32
      %dma_start3A_286 = tpu.memref_slice %arg6[%dma_start3A_284, %add3A_278, %dma_start3A_285] : memref<4x2048x1024xf32, #tpu.memory_space<hbm>> -> memref<4x4x1024xf32, #tpu.memory_space<hbm>>
      %dma_start3A_287 = tpu.memref_slice %arg14[%rem3A_156] : memref<4x!tpu.dma_semaphore, #tpu.memory_space<semaphore_mem>> -> memref<1x!tpu.dma_semaphore, #tpu.memory_space<semaphore_mem>>
      %dma_start3A_288 = tpu.memref_squeeze %dma_start3A_287 : memref<1x!tpu.dma_semaphore, #tpu.memory_space<semaphore_mem>> -> memref<!tpu.dma_semaphore, #tpu.memory_space<semaphore_mem>>
      %dma_start3A_289 = arith.constant 0 : i32
      %dma_start3A_290 = arith.constant 0 : i32
      %dma_start3A_291 = tpu.memref_slice %arg6[%dma_start3A_289, %add3A_278, %dma_start3A_290] : memref<4x2048x1024xf32, #tpu.memory_space<hbm>> -> memref<4x4x1024xf32, #tpu.memory_space<hbm>>
      %dma_start3A_292 = arith.constant 0 : i32
      %dma_start3A_293 = arith.constant 0 : i32
      %dma_start3A_294 = arith.constant 0 : i32
      %dma_start3A_295 = tpu.memref_slice %arg8[%rem3A_156, %dma_start3A_292, %dma_start3A_293, %dma_start3A_294] : memref<4x4x4x1024xf32, #tpu.memory_space<vmem>> -> memref<1x4x4x1024xf32, #tpu.memory_space<vmem>>
      %dma_start3A_296 = tpu.memref_squeeze %dma_start3A_295 : memref<1x4x4x1024xf32, #tpu.memory_space<vmem>> -> memref<4x4x1024xf32, #tpu.memory_space<vmem>>
      tpu.enqueue_dma source(%dma_start3A_296 : memref<4x4x1024xf32, #tpu.memory_space<vmem>>) target(%dma_start3A_291 : memref<4x4x1024xf32, #tpu.memory_space<hbm>>) target_semaphore(%dma_start3A_288 : memref<!tpu.dma_semaphore, #tpu.memory_space<semaphore_mem>>)
    }
    %scan3A_110 = arith.constant 16 : i32
    %add3A_111 = arith.constant 56 : i32
    %add3A_112 = arith.addi %mul3A_2, %add3A_111 : i32
    %dma_wait3A = arith.constant 2 : i32
    %dma_wait3A_113 = arith.constant 2 : i32
    %dma_wait3A_114 = arith.constant 0 : i32
    %dma_wait3A_115 = arith.constant 0 : i32
    %dma_wait3A_116 = arith.constant 0 : i32
    %dma_wait3A_117 = tpu.memref_slice %arg8[%dma_wait3A, %dma_wait3A_114, %dma_wait3A_115, %dma_wait3A_116] : memref<4x4x4x1024xf32, #tpu.memory_space<vmem>> -> memref<1x4x4x1024xf32, #tpu.memory_space<vmem>>
    %dma_wait3A_118 = tpu.memref_squeeze %dma_wait3A_117 : memref<1x4x4x1024xf32, #tpu.memory_space<vmem>> -> memref<4x4x1024xf32, #tpu.memory_space<vmem>>
    %dma_wait3A_119 = arith.constant 0 : i32
    %dma_wait3A_120 = arith.constant 0 : i32
    %dma_wait3A_121 = tpu.memref_slice %arg6[%dma_wait3A_119, %add3A_112, %dma_wait3A_120] : memref<4x2048x1024xf32, #tpu.memory_space<hbm>> -> memref<4x4x1024xf32, #tpu.memory_space<hbm>>
    %dma_wait3A_122 = tpu.memref_slice %arg14[%dma_wait3A_113] : memref<4x!tpu.dma_semaphore, #tpu.memory_space<semaphore_mem>> -> memref<1x!tpu.dma_semaphore, #tpu.memory_space<semaphore_mem>>
    %dma_wait3A_123 = tpu.memref_squeeze %dma_wait3A_122 : memref<1x!tpu.dma_semaphore, #tpu.memory_space<semaphore_mem>> -> memref<!tpu.dma_semaphore, #tpu.memory_space<semaphore_mem>>
    %dma_wait3A_124 = arith.constant 0 : i32
    %dma_wait3A_125 = arith.constant 0 : i32
    %dma_wait3A_126 = tpu.memref_slice %arg6[%dma_wait3A_124, %add3A_112, %dma_wait3A_125] : memref<4x2048x1024xf32, #tpu.memory_space<hbm>> -> memref<4x4x1024xf32, #tpu.memory_space<hbm>>
    %dma_wait3A_127 = arith.constant 0 : i32
    %dma_wait3A_128 = arith.constant 0 : i32
    %dma_wait3A_129 = arith.constant 0 : i32
    %dma_wait3A_130 = tpu.memref_slice %arg8[%dma_wait3A, %dma_wait3A_127, %dma_wait3A_128, %dma_wait3A_129] : memref<4x4x4x1024xf32, #tpu.memory_space<vmem>> -> memref<1x4x4x1024xf32, #tpu.memory_space<vmem>>
    %dma_wait3A_131 = tpu.memref_squeeze %dma_wait3A_130 : memref<1x4x4x1024xf32, #tpu.memory_space<vmem>> -> memref<4x4x1024xf32, #tpu.memory_space<vmem>>
    tpu.wait_dma2 semaphore(%dma_wait3A_123 : memref<!tpu.dma_semaphore, #tpu.memory_space<semaphore_mem>>) src(%dma_wait3A_131 : memref<4x4x1024xf32, #tpu.memory_space<vmem>>) dst(%dma_wait3A_126 : memref<4x4x1024xf32, #tpu.memory_space<hbm>>)
    %add3A_132 = arith.constant 60 : i32
    %add3A_133 = arith.addi %mul3A_2, %add3A_132 : i32
    %dma_wait3A_134 = arith.constant 3 : i32
    %dma_wait3A_135 = arith.constant 3 : i32
    %dma_wait3A_136 = arith.constant 0 : i32
    %dma_wait3A_137 = arith.constant 0 : i32
    %dma_wait3A_138 = arith.constant 0 : i32
    %dma_wait3A_139 = tpu.memref_slice %arg8[%dma_wait3A_134, %dma_wait3A_136, %dma_wait3A_137, %dma_wait3A_138] : memref<4x4x4x1024xf32, #tpu.memory_space<vmem>> -> memref<1x4x4x1024xf32, #tpu.memory_space<vmem>>
    %dma_wait3A_140 = tpu.memref_squeeze %dma_wait3A_139 : memref<1x4x4x1024xf32, #tpu.memory_space<vmem>> -> memref<4x4x1024xf32, #tpu.memory_space<vmem>>
    %dma_wait3A_141 = arith.constant 0 : i32
    %dma_wait3A_142 = arith.constant 0 : i32
    %dma_wait3A_143 = tpu.memref_slice %arg6[%dma_wait3A_141, %add3A_133, %dma_wait3A_142] : memref<4x2048x1024xf32, #tpu.memory_space<hbm>> -> memref<4x4x1024xf32, #tpu.memory_space<hbm>>
    %dma_wait3A_144 = tpu.memref_slice %arg14[%dma_wait3A_135] : memref<4x!tpu.dma_semaphore, #tpu.memory_space<semaphore_mem>> -> memref<1x!tpu.dma_semaphore, #tpu.memory_space<semaphore_mem>>
    %dma_wait3A_145 = tpu.memref_squeeze %dma_wait3A_144 : memref<1x!tpu.dma_semaphore, #tpu.memory_space<semaphore_mem>> -> memref<!tpu.dma_semaphore, #tpu.memory_space<semaphore_mem>>
    %dma_wait3A_146 = arith.constant 0 : i32
    %dma_wait3A_147 = arith.constant 0 : i32
    %dma_wait3A_148 = tpu.memref_slice %arg6[%dma_wait3A_146, %add3A_133, %dma_wait3A_147] : memref<4x2048x1024xf32, #tpu.memory_space<hbm>> -> memref<4x4x1024xf32, #tpu.memory_space<hbm>>
    %dma_wait3A_149 = arith.constant 0 : i32
    %dma_wait3A_150 = arith.constant 0 : i32
    %dma_wait3A_151 = arith.constant 0 : i32
    %dma_wait3A_152 = tpu.memref_slice %arg8[%dma_wait3A_134, %dma_wait3A_149, %dma_wait3A_150, %dma_wait3A_151] : memref<4x4x4x1024xf32, #tpu.memory_space<vmem>> -> memref<1x4x4x1024xf32, #tpu.memory_space<vmem>>
    %dma_wait3A_153 = tpu.memref_squeeze %dma_wait3A_152 : memref<1x4x4x1024xf32, #tpu.memory_space<vmem>> -> memref<4x4x1024xf32, #tpu.memory_space<vmem>>
    tpu.wait_dma2 semaphore(%dma_wait3A_145 : memref<!tpu.dma_semaphore, #tpu.memory_space<semaphore_mem>>) src(%dma_wait3A_153 : memref<4x4x1024xf32, #tpu.memory_space<vmem>>) dst(%dma_wait3A_148 : memref<4x4x1024xf32, #tpu.memory_space<hbm>>)
    return
  }
}

</mosaic_0001>

<sc_bundles>
// kernel: kernel.3.cloned.1.call-start
scs
__scs_entry_jumppad:
0x0: {  	(pc) =	sbr.rel $0x88, $3  }
0x1: {  	(tag) =	ssettag $0x0;
	lr =	simm.s32 $0x1  }
0x2: {  	[smem:$0x3F9D] =	sst lr;
	_ =	strace $0xD0000000  }
0x3: {  	_ = 	snop  }
0x4: {  	_ = 	snop  }
0x5: {  	_ = 	snop  }
0x6: {  	_ = 	snop  }
0x7: {  	_ = 	snop  }
__scs_overlays_trampoline_lowered:
0x8: {  	[smem:$0x3FAC] =	sst s0  }
0x9: {  	[smem:$0x3FAD] =	sst s1  }
0xa: {  	[smem:$0x3FAE] =	sst s2  }
0xb: {  	[smem:$0x3FAF] =	sst s3  }
0xc: {  	[smem:$0x3FB0] =	sst s4  }
0xd: {  	[smem:$0x3FB1] =	sst s5  }
0xe: {  	[smem:$0x3FB2] =	sst s6  }
0xf: {  	[smem:$0x3FB3] =	sst s7  }
0x10: {  	[smem:$0x3FB4] =	sst s8  }
0x11: {  	[smem:$0x3FB5] =	sst s9;
	s0 =	simm.s32 @!p0 $0x0  }
0x12: {  	s1 =	sld [smem:$0x3F9B];
	s0 =	simm.s32 @p0 $0x1  }
0x13: {  	[smem:$0x3FB6] =	sst s0;
	s0 =	simm.s32 @!p1 $0x0  }
0x14: {  	s2 =	sld [smem:$0x3F9A];
	s0 =	simm.s32 @p1 $0x1  }
0x15: {  	[smem:$0x3FB7] =	sst s0;
	s0 =	simm.s32 @!p2 $0x0  }
0x16: {  	s3 =	sld [smem:$0x3FDB];
	s0 =	simm.s32 @p2 $0x1  }
0x17: {  	s4 =	simm.s32 $0x1BF5;
	[smem:$0x3FB9] =	sst s0  }
0x18: {  	s0 =	sld [smem:$0x3F9C];
	_ =	swait.ge [sflag:s4], $0x0  }
0x19: {  	s7 =	sld [smem:$0x3F9D]  }
0x1a: {  	s8 =	sadd.s32 $0xFFFFE003, lr  }
0x1b: {  	s9 =	sadd.s32 $0xFFFFFEF7, lr;
	s5 =	simm.s32 $0xFFFFFFFF;
	p2 =	slt.u32 s8, $0xFFFFF086  }
0x1c: {  	p1 =	slt.u32 s9, $0xF7A;
	s5 =	simm.s32 @!p2 $0x0  }
0x1d: {  	s5 =	simm.s32 @p1 $0x1;
	p0 =	seq.s32 s7, s2  }
0x1e: {  	s7 =	smul.u32 @!p0 $0xF7A, s2;
	p2 =	seq.s32 @!p0 s5, $0x0  }
0x1f: {  	s9 =	smul.u32 $0xF7A, s1;
	s8 =	simm.s32 @!p0 $0x1BF5;
	p2 =	por !p2, p0  }
0x20: {  	[sflag:s8] =	ssyncset.s32 @!p0 $0xFFFFF086;
	s6 =	sadd.s32 @!p0 s3, s7;
	s7 =	simm.s32 @!p0 $0x108  }
0x21: {  	s3 =	sadd.s32 s3, s9;
	s6 =	sadd.s32 @!p0 $0x88, s6;
	s7 =	simm.s32 @p2 $0x1082  }
0x22: {  	[simem:s7], [sflag:s8] =	dma.local @!p0 [hbm:s6], $0xF7A  }
0x23: {  	s9 =	sor.u32 $0xD0000000, s2;
	s6 =	simm.s32 $0x108;
	_ =	swait.ge @!p0 [sflag:s8], $0x0  }
0x24: {  	s3 =	sadd.s32 $0x88, s3;
	s6 =	simm.s32 @!p1 $0x1082;
	[sflag:s4] =	ssyncset.s32 $0xFFFFF086  }
0x25: {  	[simem:s6], [sflag:s4] =	dma.local [hbm:s3], $0xF7A  }
0x26: {  	[smem:$0x3F9D] =	sst s1;
	(tag) =	ssettag s2;
	_ =	strace s9  }
0x27: {  	s1 =	sld [smem:$0x3FAD]  }
0x28: {  	s2 =	sld [smem:$0x3FAE]  }
0x29: {  	s4 =	sld [smem:$0x3FB0]  }
0x2a: {  	p0 =	seq.s32 s5, $0x0;
	s5 =	sld [smem:$0x3FB1]  }
0x2b: {  	s6 =	sld [smem:$0x3FB2]  }
0x2c: {  	s7 =	sld [smem:$0x3FB3]  }
0x2d: {  	s3 =	simm.s32 $0x108;
	s8 =	sld [smem:$0x3FB4]  }
0x2e: {  	s3 =	simm.s32 @!p0 $0x1082;
	s9 =	sld [smem:$0x3FB5]  }
0x2f: {  	lr =	sadd.s32 s0, s3;
	s0 =	sld [smem:$0x3FAC]  }
0x30: {  	s3 =	sld [smem:$0x3FAF]  }
0x31: {  	[smem:$0x3FB8] =	sst s10  }
0x32: {  	s10 =	sld [smem:$0x3FB6];
	_ =	sdelay $0x3  }
0x33: {  	p0 =	seq.s32 s10, $0x1;
	s10 =	sld [smem:$0x3FB8];
	_ =	sdelay $0x3  }
0x34: {  	[smem:$0x3FB8] =	sst s10  }
0x35: {  	s10 =	sld [smem:$0x3FB7];
	_ =	sdelay $0x3  }
0x36: {  	p1 =	seq.s32 s10, $0x1;
	s10 =	sld [smem:$0x3FB8];
	_ =	sdelay $0x3  }
0x37: {  	[smem:$0x3FB8] =	sst s10  }
0x38: {  	s10 =	sld [smem:$0x3FB9]  }
0x39: {  	_ = 	snop;
	(pc) =	sbr.ind lr, $3  }
0x3a: {  	_ = 	snop  }
0x3b: {  	_ = 	snop  }
0x3c: {  	p2 =	seq.s32 s10, $0x1;
	s10 =	sld [smem:$0x3FB8]  }
0x3d: {  	_ =	shalt  }
0x3e: {  	_ =	shalt  }
0x3f: {  	_ =	shalt  }
0x40: {  	_ =	shalt  }
0x41: {  	_ =	shalt  }
0x42: {  	_ =	shalt  }
0x43: {  	_ =	shalt  }
0x44: {  	_ =	shalt  }
0x45: {  	_ =	shalt  }
0x46: {  	_ =	shalt  }
0x47: {  	_ =	shalt  }
0x48: {  	_ =	shalt  }
0x49: {  	_ =	shalt  }
0x4a: {  	_ =	shalt  }
0x4b: {  	_ =	shalt  }
0x4c: {  	_ =	shalt  }
0x4d: {  	_ =	shalt  }
0x4e: {  	_ =	shalt  }
0x4f: {  	_ =	shalt  }
0x50: {  	_ =	shalt  }
0x51: {  	_ =	shalt  }
0x52: {  	_ =	shalt  }
0x53: {  	_ =	shalt  }
0x54: {  	_ =	shalt  }
0x55: {  	_ =	shalt  }
0x56: {  	_ =	shalt  }
0x57: {  	_ =	shalt  }
0x58: {  	_ =	shalt  }
0x59: {  	_ =	shalt  }
0x5a: {  	_ =	shalt  }
0x5b: {  	_ =	shalt  }
0x5c: {  	_ =	shalt  }
0x5d: {  	_ =	shalt  }
0x5e: {  	_ =	shalt  }
0x5f: {  	_ =	shalt  }
0x60: {  	_ =	shalt  }
0x61: {  	_ =	shalt  }
0x62: {  	_ =	shalt  }
0x63: {  	_ =	shalt  }
0x64: {  	_ =	shalt  }
0x65: {  	_ =	shalt  }
0x66: {  	_ =	shalt  }
0x67: {  	_ =	shalt  }
0x68: {  	_ =	shalt  }
0x69: {  	_ =	shalt  }
0x6a: {  	_ =	shalt  }
0x6b: {  	_ =	shalt  }
0x6c: {  	_ =	shalt  }
0x6d: {  	_ =	shalt  }
0x6e: {  	_ =	shalt  }
0x6f: {  	_ =	shalt  }
0x70: {  	_ =	shalt  }
0x71: {  	_ =	shalt  }
0x72: {  	_ =	shalt  }
0x73: {  	_ =	shalt  }
0x74: {  	_ =	shalt  }
0x75: {  	_ =	shalt  }
0x76: {  	_ =	shalt  }
0x77: {  	_ =	shalt  }
0x78: {  	_ =	shalt  }
0x79: {  	_ =	shalt  }
0x7a: {  	_ =	shalt  }
0x7b: {  	_ =	shalt  }
0x7c: {  	_ =	shalt  }
0x7d: {  	_ =	shalt  }
0x7e: {  	_ =	shalt  }
0x7f: {  	_ =	shalt  }
0x80: {  	_ =	shalt  }
0x81: {  	_ =	shalt  }
0x82: {  	_ =	shalt  }
0x83: {  	_ =	shalt  }
0x84: {  	_ =	shalt  }
0x85: {  	_ =	shalt  }
0x86: {  	_ =	shalt  }
0x87: {  	_ =	shalt  }
.Lfunc_end0:
.L_simem_size_0:
called_computation_lowered:
.L_overlay_start_0:
0x88: {  	s2 =	sld [smem:$0x3FD9]  }
0x89: {  	s3 =	sld [smem:$0x3FFE];
	_ =	sdelay $0x1  }
0x8a: {  	s1 =	srdreg.scid  }
0x8b: {  	s0 =	sand.u32 $0x1, s1  }
0x8c: {  	s18 =	sshll.u32 s0, $0xA;
	s2 =	sadd.s32 s3, s2  }
0x8d: {  	s2 =	sadd.s32 s2, s18  }
0x8e: {  	[smem:$0x3FC4] =	sst s2  }
0x8f: {  	_ = 	snop  }
0x90: {  	s2 =	sld [smem:$0x3FC9]  }
0x91: {  	s19 =	sld [smem:$0x3FC8]  }
0x92: {  	s4 =	sld [smem:$0x3FC7]  }
0x93: {  	s5 =	sld [smem:$0x3FC6]  }
0x94: {  	s6 =	sld [smem:$0x3FD0];
	(tm) =	ssettm $0x1  }
0x95: {  	s7 =	sld [smem:$0x3FFB];
	_ =	sdelay $0x3  }
0x96: {  	_ =	strace s7  }
0x97: {  	s7 =	sld [smem:$0x3FFC];
	_ =	sdelay $0x3  }
0x98: {  	_ =	strace s7  }
0x99: {  	s7 =	sld [smem:$0x3FFD];
	_ =	sdelay $0x3  }
0x9a: {  	_ =	strace s7  }
0x9b: {  	_ =	strace $0x8FFFFFFF  }
0x9c: {  	s20 =	sld [smem:$0x3FDB];
	_ =	sdelay $0x1  }
0x9d: {  	s8 =	simm.s32 $_scs_section_size  }
0x9e: {  	s9 =	simm.s32 $_size__tile_overlayer_lowered;
	s10 =	simm.s32 $_tile_overlayer_lowered  }
0x9f: {  	s23 =	simm.s32 $0x1BFF;
	s22 =	sshll.u32 s10, $0x1;
	s7 =	sadd.s32 s8, s20  }
0xa0: {  	s11 =	simm.s32 $0x0;
	s21 =	sshll.u32 s9, $0x1;
	s9 =	sadd.s32 s22, s7  }
0xa1: {  	[timem:s11], [sflag:s23] =	dma.local [hbm:s9], s21  }
0xa2: {  	_ =	swait.ge [sflag:s23], s21  }
0xa3: {  	s8 =	ssub.s32 $0x0, s21;
	[sflag:s23] =	ssyncset.done $0x0  }
0xa4: {  	[sflag:s23] =	ssyncadd.s32 s8;
	_ =	sdelay $0x1  }
0xa5: {  	s24 =	simm.s32 $0x1B8B  }
0xa6: {  	_ =	swait.ge [sflag:s24], $0x1  }
0xa7: {  	[sflag:s24] =	ssyncset.done $0x0  }
0xa8: {  	s25 =	simm.s32 $0x1B8E;
	[sflag:s24] =	ssyncadd.s32 $0xFFFFFFFF  }
0xa9: {  	s26 =	simm.s32 $execute0_lowered;
	[smem:$0x3FD2] =	sst s25  }
0xaa: {  	s8 =	sshll.u32 s26, $0x1;
	_ =	strace $0x80000046;
	[dreg:$0x1] =	wrdreg $0xFFFFFFFF  }
0xab: {  	s28 =	simm.s32 $_size_execute0_lowered;
	s7 =	sadd.s32 s7, s8;
	[dreg:$0x0] =	wrdreg $0x0  }
0xac: {  	s8 =	sshll.u32 s28, $0x1;
	[dreg:$0x2] =	wrdreg s7  }
0xad: {  	[dreg:$0x3] =	wrdreg s8  }
0xae: {  	[dreg:$0x4] =	wrdreg $0xC0  }
0xaf: {  	_ =	task [dreg:s11], $0x5FFFF  }
0xb0: {  	[dreg:$0x1] =	wrdreg $0xFFFFFFFF  }
0xb1: {  	[dreg:$0x0] =	wrdreg $0x60  }
0xb2: {  	[dreg:$0x2] =	wrdreg s2  }
0xb3: {  	[dreg:$0x3] =	wrdreg s19  }
0xb4: {  	[dreg:$0x4] =	wrdreg s4  }
0xb5: {  	[dreg:$0x5] =	wrdreg s5  }
0xb6: {  	[dreg:$0x6] =	wrdreg s6  }
0xb7: {  	[dreg:$0x7] =	wrdreg $0x9  }
0xb8: {  	_ =	task.clear_ibuf [dreg:s11], $0x8FFFF;
	_ =	strace $0x90000046  }
0xb9: {  	s29 =	simm.s32 $0x9;
	_ =	strace $0x80000048  }
0xba: {  	_ =	swait.ge [sflag:s29], $0x1  }
0xbb: {  	[sflag:s29] =	ssyncadd.s32 $0xFFFFFFFF  }
0xbc: {  	_ =	strace $0x90000048  }
0xbd: {  	_ =	sfence  }
0xbe: {  	s30 =	sld [smem:$0x0];
	_ =	sdelay $0x2  }
0xbf: {  	s31 =	sshll.u32 s1, $0xD;
	s1 =	sshrl.u32 s1, $0x2  }
0xc0: {  	s3 =	sand.u32 $0x4000, s31;
	s1 =	sadd.s32 s1, s30  }
0xc1: {  	s0 =	sor.u32 s3, s0;
	s1 =	sshll.u32 s1, $0x11  }
0xc2: {  	s0 =	sor.u32 s1, s0  }
0xc3: {  	s0 =	sadd.s32 $0x8F2B, s0  }
0xc4: {  	[sflag:s0] =	ssyncadd.remote.s32 $0x1  }
0xc5: {  	_ =	sfence.sel $0xFFFF  }
0xc6: {  	[dreg:$0x0] =	wrdreg $0xFFFFFFFF;
	(pc) =	sbr.abs _section_cstart, $3  }
0xc7: {  	[dreg:$0x1] =	wrdreg $0xFFFFFFFF  }
0xc8: {  	_ =	task.clear_ibuf [dreg:s11], $0x2FFFF;
	_ =	strace $0x9FFFFFFF  }
0xc9: {  	(tm) =	ssettm $0x7FFFFFFF  }
tec
execute0_lowered:
.L_overlay_start_1:
0x0: {  	(tag) =	ssettag $0x1  }
0x1: {  	s2 =	rddreg [dreg:$0x0]  }
0x2: {  	s6 =	rddreg [dreg:$0x1]  }
0x3: {  	s0 =	rddreg [dreg:$0x4];
	s1 =	srdreg.scid  }
0x4: {  	s3 =	simm.s32 $0x0;
	s5 =	stileid.u32;
	s1 =	sand.u32 $0x1, s1  }
0x5: {  	s5 =	sshll.u32 s5, $0xE;
	s21 =	ssub.s32 $0x2, s1;
	s1 =	sshll.u32 s1, $0xD  }
0x6: {  	[smem:$0x7FF] =	sst s3;
	s22 =	sor.u32 s1, s5  }
0x7: {  	_ =	strace $0x80000047;
	s1 =	sadd.s32 s6, s22;
	[dreg:$0x7] =	wrdreg s22  }
0x8: {  	v0 =	vimm.s32 $0xFEDCBA98;
	v1 =	vimm.s32 $0x76543210;
	s0 =	sadd.s32 s0, s22;
	[dreg:$0x8] =	wrdreg s1  }
0x9: {  	v2 =	vimm.s32 $0x3210FEDC;
	v3 =	vimm.s32 $0xBA987654;
	v4 =	vimm.s32 $0x10FEDCBA;
	s5 =	sadd.s32 s2, s22;
	s23 =	sor.u32 $0x40, s22;
	[dreg:$0xe] =	wrdreg s0  }
0xa: {  	v5 =	vimm.s32 $0x98765432;
	v6 =	vimm.s32 $0xFEDCBA9;
	v7 =	vimm.s32 $0x87654321;
	s6 =	sadd.s32 s6, s23;
	[dreg:$0x9] =	wrdreg s5  }
0xb: {  	v0 =	vunpack.c.l.s4.s8 v0;
	v1 =	vunpack.c.l.s4.s8 v1;
	v2 =	vunpack.c.l.s4.s8 v2;
	s4 =	sshrl.u32 s21, $0x1;
	s24 =	sadd.s32 $0x40000, s5;
	[dreg:$0xa] =	wrdreg s6  }
0xc: {  	v3 =	vunpack.c.l.s4.s8 v3;
	v4 =	vunpack.c.l.s4.s8 v4;
	v5 =	vunpack.c.l.s4.s8 v5;
	s3 =	ssub.s32 s21, s4;
	s25 =	sadd.s32 $0x80000, s5;
	[dreg:$0xb] =	wrdreg s24  }
0xd: {  	v6 =	vunpack.c.l.s4.s8 v6;
	v7 =	vunpack.c.l.s4.s8 v7;
	v0 =	vunpack.c.0.s8.s32 v0;
	s26 =	smax.u32 s3, $0x1;
	[dreg:$0xc] =	wrdreg s25  }
0xe: {  	v2 =	vunpack.c.0.s8.s32 v2;
	v3 =	vunpack.c.0.s8.s32 v3;
	v4 =	vunpack.c.0.s8.s32 v4;
	s28 =	sadd.s32 $0xC0000, s5;
	[dreg:$0xf] =	wrdreg s26  }
0xf: {  	v5 =	vunpack.c.0.s8.s32 v5;
	v6 =	vunpack.c.0.s8.s32 v6;
	v7 =	vunpack.c.0.s8.s32 v7;
	s1 =	sadd.s32 s2, s23;
	[dreg:$0x10] =	wrdreg s28  }
0x10: {  	v1 =	vunpack.c.0.s8.s32 v1;
	v2 =	vcombine.low v3, v2;
	s29 =	sadd.s32 $0x40000, s1;
	[dreg:$0xd] =	wrdreg s1  }
0x11: {  	v3 =	vcombine.low v5, v4;
	v4 =	vcombine.low v7, v6;
	v0 =	vand.u32 $0xF, v0;
	s30 =	sadd.s32 $0x80000, s1;
	[dreg:$0x11] =	wrdreg s29  }
0x12: {  	s31 =	sadd.s32 $0xC0000, s1;
	v0 =	vcombine.low v0, v1;
	[dreg:$0x12] =	wrdreg s30  }
0x13: {  	s21 =	simm.s32 $0x400;
	s2 =	simm.s32 $0x0;
	[dreg:$0x13] =	wrdreg s31;
	v1 =	vand.u32 $0xF, v2;
	v2 =	vand.u32 $0xF, v3;
	v3 =	vand.u32 $0xF, v4  }
.LBB2_1:
0x14: {  	[dreg:$0x14] =	wrdreg s2  }
0x15: {  	s1 =	simm.s32 $0x0;
	s0 =	rddreg [dreg:$0x8];
	s7 =	simm.s32 $0x200  }
0x16: {  	[tilespmem:s1], [sflag:$0x1] =	stream.strided.gather [hbm4b:s0+s7], $0x1000, s21, s7, $0x38;
	[tilespmem:$0x14C00] =	vst v63  }
0x17: {  	s8 =	rddreg [dreg:$0x9];
	s3 =	simm.s32 $0x4000  }
0x18: {  	[tilespmem:s3], [sflag:$0x5] =	stream.strided.gather [hbm4b:s8+s7], $0x1000, s21, s7, $0x38;
	[tilespmem:$0x14C00] =	vst v63  }
0x19: {  	s9 =	rddreg [dreg:$0xb];
	s10 =	simm.s32 $0x5000  }
0x1a: {  	[tilespmem:s10], [sflag:$0x5] =	stream.strided.gather [hbm4b:s9+s7], $0x1000, s21, s7, $0x38;
	[tilespmem:$0x14C00] =	vst v63  }
0x1b: {  	s11 =	rddreg [dreg:$0xc];
	s12 =	simm.s32 $0x6000  }
0x1c: {  	[tilespmem:s12], [sflag:$0x5] =	stream.strided.gather [hbm4b:s11+s7], $0x1000, s21, s7, $0x38;
	[tilespmem:$0x14C00] =	vst v63  }
0x1d: {  	s13 =	rddreg [dreg:$0x10];
	s14 =	simm.s32 $0x7000  }
0x1e: {  	[tilespmem:s14], [sflag:$0x5] =	stream.strided.gather [hbm4b:s13+s7], $0x1000, s21, s7, $0x38;
	[tilespmem:$0x14C00] =	vst v63  }
0x1f: {  	s15 =	rddreg [dreg:$0xa];
	s16 =	simm.s32 $0x1000  }
0x20: {  	[tilespmem:s16], [sflag:$0x2] =	stream.strided.gather [hbm4b:s15+s7], $0x1000, s21, s7, $0x38;
	[tilespmem:$0x14C00] =	vst v63  }
0x21: {  	s17 =	rddreg [dreg:$0xd];
	s18 =	simm.s32 $0x8000  }
0x22: {  	[tilespmem:s18], [sflag:$0x6] =	stream.strided.gather [hbm4b:s17+s7], $0x1000, s21, s7, $0x38;
	[tilespmem:$0x14C00] =	vst v63  }
0x23: {  	s19 =	rddreg [dreg:$0x11];
	s20 =	simm.s32 $0x9000  }
0x24: {  	[tilespmem:s20], [sflag:$0x6] =	stream.strided.gather [hbm4b:s19+s7], $0x1000, s21, s7, $0x38;
	[tilespmem:$0x14C00] =	vst v63  }
0x25: {  	s22 =	rddreg [dreg:$0x12];
	s23 =	simm.s32 $0xA000  }
0x26: {  	[tilespmem:s23], [sflag:$0x6] =	stream.strided.gather [hbm4b:s22+s7], $0x1000, s21, s7, $0x38;
	[tilespmem:$0x14C00] =	vst v63  }
0x27: {  	s24 =	rddreg [dreg:$0x13];
	s25 =	simm.s32 $0xB000  }
0x28: {  	[tilespmem:s25], [sflag:$0x6] =	stream.strided.gather [hbm4b:s24+s7], $0x1000, s21, s7, $0x38;
	[tilespmem:$0x14C00] =	vst v63  }
0x29: {  	s26 =	rddreg [dreg:$0x2];
	s28 =	simm.s32 $0x14000;
	s29 =	simm.s32 $0xD  }
0x2a: {  	[tilespmem:s28], [sflag:$0xD] =	stream.linear.gather [hbm4b:s26+s1], $0x400, $0x38;
	[tilespmem:$0x14C00] =	vst v63  }
0x2b: {  	_ =	swait.ge [sflag:s29], $0x400  }
0x2c: {  	[sflag:s29] =	ssyncset.done $0x0  }
0x2d: {  	[sflag:s29] =	ssyncadd.s32 $0xFFFFFC00  }
0x2e: {  	s31 =	simm.s32 $0x14400;
	s30 =	rddreg [dreg:$0x3]  }
0x2f: {  	[tilespmem:s31], [sflag:$0xD] =	stream.linear.gather [hbm4b:s30+s1], $0x400, $0x38;
	[tilespmem:$0x14C00] =	vst v63  }
0x30: {  	_ =	swait.ge [sflag:s29], $0x400  }
0x31: {  	[sflag:s29] =	ssyncset.done $0x0  }
0x32: {  	s24 =	simm.s32 $0x0;
	s25 =	simm.s32 $0x0;
	[sflag:s29] =	ssyncadd.s32 $0xFFFFFC00  }
.LBB2_2:
0x33: {  	s1 =	sadd.s32 $0x2, s25  }
0x34: {  	p0 =	slt.u32 s25, $0x2;
	s0 =	sand.u32 $0x3, s1  }
0x35: {  	p1 =	sgt.u32 @!p0 s25, $0xD;
	s3 =	sadd.s32 @!p0 $0x9, s0  }
0x36: {  	s4 =	sshll.u32 s25, $0x6;
	p1 =	por p0, !p1;
	_ =	swait.ge @!p0 [sflag:s3], $0x4000  }
0x37: {  	s8 =	sand.u32 $0x40, s4;
	s1 =	sshll.u32 @p1 s1, $0x9;
	s2 =	rddreg @p1 [dreg:$0x7]  }
0x38: {  	s5 =	sadd.s32 @p1 $0x1, s0;
	[sflag:s3] =	ssyncset.done @!p0 $0x0;
	s1 =	sadd.s32 @p1 s2, s1  }
0x39: {  	s7 =	simm.s32 @p1 $0x200;
	[sflag:s3] =	ssyncadd.s32 @!p0 $0xFFFFC000;
	s1 =	sand.u32 @p1 $0x7FC00, s1  }
0x3a: {  	s3 =	sshll.u32 @p1 s0, $0xE;
	s2 =	rddreg @p1 [dreg:$0x1];
	s1 =	sor.u32 @p1 s8, s1  }
0x3b: {  	s4 =	sshrl.u32 @p1 s3, $0x2;
	s6 =	sadd.s32 @p1 s2, s1;
	s2 =	rddreg @p1 [dreg:$0x0]  }
0x3c: {  	[tilespmem:s4], [sflag:s5] =	stream.strided.gather @p1 [hbm4b:s6+s7], $0x1000, s21, s7, $0x38;
	[tilespmem:$0x14C00] =	vst v63  }
0x3d: {  	s0 =	sadd.s32 @p1 $0x5, s0;
	s4 =	sadd.s32 @p1 $0x4000, s3;
	s1 =	sadd.s32 @p1 s2, s1  }
0x3e: {  	[tilespmem:s4], [sflag:s0] =	stream.strided.gather @p1 [hbm4b:s1+s7], $0x1000, s21, s7, $0x38;
	[tilespmem:$0x14C00] =	vst v63  }
0x3f: {  	s29 =	sand.u32 $0x3, s25;
	s5 =	sadd.s32 @p1 $0x5000, s3;
	s4 =	sadd.s32 @p1 $0x40000, s1  }
0x40: {  	[tilespmem:s5], [sflag:s0] =	stream.strided.gather @p1 [hbm4b:s4+s7], $0x1000, s21, s7, $0x38;
	[tilespmem:$0x14C00] =	vst v63  }
0x41: {  	s30 =	sadd.s32 $0x1, s29;
	s4 =	sadd.s32 @p1 $0x80000, s1;
	s5 =	sadd.s32 @p1 $0x6000, s3  }
0x42: {  	[tilespmem:s5], [sflag:s0] =	stream.strided.gather @p1 [hbm4b:s4+s7], $0x1000, s21, s7, $0x38;
	[tilespmem:$0x14C00] =	vst v63  }
0x43: {  	s28 =	sshll.u32 s29, $0xE;
	s1 =	sadd.s32 @p1 $0xC0000, s1;
	s3 =	sadd.s32 @p1 $0x7000, s3  }
0x44: {  	[tilespmem:s3], [sflag:s0] =	stream.strided.gather @p1 [hbm4b:s1+s7], $0x1000, s21, s7, $0x38;
	[tilespmem:$0x14C00] =	vst v63  }
0x45: {  	s26 =	sand.u32 $0x3, s24;
	s31 =	sshrl.u32 s28, $0x2;
	_ =	swait.ge [sflag:s30], $0x1000  }
0x46: {  	s0 =	sshll.u32 s26, $0xC;
	s3 =	simm.s32 $0x0;
	[sflag:s30] =	ssyncset.done $0x0  }
0x47: {  	s0 =	sor.u32 $0x40, s0;
	[dreg:$0x6] =	wrdreg s31;
	[sflag:s30] =	ssyncadd.s32 $0xFFFFF000  }
.LBB2_3:
0x48: {  	v8 =	vld [tilespmem:s0+$0xFFFFFFC0]  }
0x49: {  	v9 =	vld [tilespmem:s0+$0xFFFFFFD0]  }
0x4a: {  	v7 =	vld [tilespmem:s0+$0x0]  }
0x4b: {  	v4 =	vld [tilespmem:s0+$0x10]  }
0x4c: {  	v11 =	vimm.f32 $0.0e+00;
	v6 =	vld [tilespmem:s0+$0xFFFFFFE0];
	v16 =	vimm.f32 $0.0e+00  }
0x4d: {  	v5 =	vld [tilespmem:s0+$0xFFFFFFF0];
	v12 =	vimm.f32 $0.0e+00;
	v13 =	vimm.f32 $0.0e+00;
	v10 =	vmul.f32 v8, v8  }
0x4e: {  	v14 =	vimm.f32 $0.0e+00;
	v19 =	vmul.f32 v9, v9;
	v17 =	vadd.f32 v8, v11;
	v8 =	vld [tilespmem:s0+$0x20]  }
0x4f: {  	s4 =	sshll.u32 s3, $0x9;
	s1 =	simm.s32 $0x0;
	s5 =	sadd.s32 $0x200, s0;
	v15 =	vimm.f32 $0.0e+00;
	v20 =	vmul.f32 v7, v7;
	v18 =	vadd.f32 v10, v11;
	v10 =	vld [tilespmem:s0+$0x30]  }
.LBB2_4:
0x50: {  	v21 =	vld [tilespmem:s5+$0xFFFFFFC0];
	v11 =	vadd.f32 v9, v11;
	v16 =	vadd.f32 v19, v16;
	v19 =	vmul.f32 v4, v4  }
0x51: {  	s1 =	sadd.s32 $0x8, s1;
	v9 =	vld [tilespmem:s5+$0xFFFFFFD0];
	v22 =	vmul.f32 v6, v6;
	v17 =	vadd.f32 v7, v17;
	v18 =	vadd.f32 v20, v18  }
0x52: {  	p0 =	slt.u32 s1, $0x38;
	v7 =	vld [tilespmem:s5+$0x0];
	v20 =	vmul.f32 v5, v5;
	v11 =	vadd.f32 v4, v11;
	v16 =	vadd.f32 v19, v16  }
.Ltmp0:
0x53: {  	v12 =	vadd.f32 v6, v12;
	v4 =	vld [tilespmem:s5+$0x10];
	v13 =	vadd.f32 v22, v13;
	v19 =	vmul.f32 v8, v8;
	(pc) =	sbr.rel @p0 .LBB2_4-.Ltmp0, $4  }
0x54: {  	v14 =	vadd.f32 v5, v14;
	v6 =	vld [tilespmem:s5+$0xFFFFFFE0];
	v15 =	vadd.f32 v20, v15;
	v20 =	vmul.f32 v10, v10  }
0x55: {  	v12 =	vadd.f32 v8, v12;
	v22 =	vmul.f32 v21, v21;
	v5 =	vld [tilespmem:s5+$0xFFFFFFF0];
	v13 =	vadd.f32 v19, v13  }
0x56: {  	v14 =	vadd.f32 v10, v14;
	v19 =	vmul.f32 v9, v9;
	v8 =	vld [tilespmem:s5+$0x20];
	v15 =	vadd.f32 v20, v15  }
0x57: {  	v17 =	vadd.f32 v21, v17;
	v18 =	vadd.f32 v22, v18;
	v20 =	vmul.f32 v7, v7;
	v10 =	vld [tilespmem:s5+$0x30];
	s5 =	sadd.s32 $0x200, s5  }
0x58: {  	v9 =	vadd.f32 v9, v11;
	v40 =	vadd.f32 v19, v16  }
0x59: {  	v41 =	vmul.f32 v4, v4;
	v7 =	vadd.f32 v7, v17;
	v43 =	vadd.f32 v20, v18  }
0x5a: {  	v42 =	vmul.f32 v6, v6;
	v46 =	vadd.f32 v6, v12;
	v4 =	vadd.f32 v4, v9  }
0x5b: {  	v44 =	vmul.f32 v5, v5;
	v45 =	vadd.f32 v41, v40;
	v5 =	vadd.f32 v5, v14  }
0x5c: {  	v47 =	vadd.f32 v42, v13;
	v6 =	vadd.f32 v8, v46  }
0x5d: {  	v48 =	vmul.f32 v8, v8;
	v49 =	vadd.f32 v44, v15;
	v4 =	vadd.f32 v4, v7  }
0x5e: {  	v50 =	vmul.f32 v10, v10;
	v5 =	vadd.f32 v10, v5;
	v52 =	vadd.f32 v45, v43  }
0x5f: {  	v51 =	vadd.f32 v48, v47;
	v4 =	vadd.f32 v6, v4  }
0x60: {  	v7 =	vadd.f32 v50, v49  }
0x61: {  	v4 =	vadd.f32 v5, v4;
	v5 =	vadd.f32 v51, v52;
	_ =	sdelay $0x1  }
0x62: {  	v5 =	vadd.f32 v7, v5;
	v53 =	vperm.xlane v4, v0;
	_ =	sdelay $0x1  }
0x63: {  	v4 =	vadd.f32 v53, v4;
	v54 =	vperm.xlane v5, v0;
	_ =	sdelay $0x1  }
0x64: {  	v5 =	vadd.f32 v54, v5;
	v55 =	vperm.xlane v4, v1;
	_ =	sdelay $0x1  }
0x65: {  	v4 =	vadd.f32 v55, v4;
	v56 =	vperm.xlane v5, v1;
	_ =	sdelay $0x1  }
0x66: {  	v5 =	vadd.f32 v56, v5;
	v57 =	vperm.xlane v4, v2;
	_ =	sdelay $0x1  }
0x67: {  	v4 =	vadd.f32 v57, v4;
	v58 =	vperm.xlane v5, v2;
	_ =	sdelay $0x1  }
0x68: {  	v5 =	vadd.f32 v58, v5;
	v59 =	vperm.xlane v4, v3;
	_ =	sdelay $0x1  }
0x69: {  	v4 =	vadd.f32 v59, v4;
	v60 =	vperm.xlane v5, v3;
	_ =	sdelay $0x1  }
0x6a: {  	v5 =	vadd.f32 v60, v5;
	v4 =	vmul.f32 $9.765625000e-04, v4;
	_ =	sdelay $0x1  }
0x6b: {  	v5 =	vmul.f32 $9.765625000e-04, v5;
	v61 =	vmul.f32 v4, v4;
	_ =	sdelay $0x1  }
0x6c: {  	v5 =	vsub.f32 v5, v61;
	_ =	sdelay $0x1  }
0x6d: {  	v5 =	vadd.f32 $9.999999970e-07, v5;
	_ =	sdelay $0x1  }
0x6e: {  	v62 =	vshra.s32 v5, $0x1;
	v5 =	vmul.f32 $5.000000000e-01, v5  }
0x6f: {  	v6 =	vsub.s32 $0x5F3759DF, v62  }
0x70: {  	v63 =	vmul.f32 v6, v5;
	_ =	sdelay $0x1  }
0x71: {  	v7 =	vmul.f32 v6, v63;
	_ =	sdelay $0x1  }
0x72: {  	v7 =	vsub.f32 $1.500000000e+00, v7;
	_ =	sdelay $0x1  }
0x73: {  	v6 =	vmul.f32 v6, v7;
	_ =	sdelay $0x1  }
0x74: {  	v7 =	vmul.f32 v6, v5;
	_ =	sdelay $0x1  }
0x75: {  	v7 =	vmul.f32 v7, v6;
	_ =	sdelay $0x1  }
0x76: {  	v7 =	vsub.f32 $1.500000000e+00, v7;
	_ =	sdelay $0x1  }
0x77: {  	v6 =	vmul.f32 v7, v6;
	_ =	sdelay $0x1  }
0x78: {  	v5 =	vmul.f32 v6, v5;
	_ =	sdelay $0x1  }
0x79: {  	v5 =	vmul.f32 v5, v6;
	_ =	sdelay $0x1  }
0x7a: {  	s3 =	sadd.s32 $0x1, s3;
	v5 =	vsub.f32 $1.500000000e+00, v5  }
0x7b: {  	p0 =	sne.s32 s3, $0x4  }
.Ltmp1:
0x7c: {  	v5 =	vmul.f32 v5, v6;
	(pc) =	sbr.rel @p0 .LBB2_3-.Ltmp1, $4  }
0x7d: {  	_ = 	snop  }
0x7e: {  	s1 =	sshrl.u32 s4, $0x2;
	v4 =	vmul.f32 v5, v4  }
0x7f: {  	[tilespmem:s1+$0x14800] =	vst v5  }
0x80: {  	s0 =	sadd.s32 $0x80, s0;
	[tilespmem:s1+$0x14A00] =	vst v4  }
0x81: {  	v4 =	vld.msk [tilespmem:$0x14800 ss:$0x0], $0xffff  }
0x82: {  	v5 =	vld.msk [tilespmem:$0x14A00 ss:$0x0], $0xffff  }
0x83: {  	v6 =	vld.msk [tilespmem:$0x14880 ss:$0x0], $0xffff  }
0x84: {  	v7 =	vld.msk [tilespmem:$0x14A80 ss:$0x0], $0xffff  }
0x85: {  	v8 =	vld.msk [tilespmem:$0x14900 ss:$0x0], $0xffff  }
0x86: {  	v9 =	vld.msk [tilespmem:$0x14B00 ss:$0x0], $0xffff  }
0x87: {  	[dreg:$0x15] =	wrdreg s8;
	v10 =	vld.msk [tilespmem:$0x14980 ss:$0x0], $0xffff;
	s0 =	sadd.s32 $0x5, s29  }
0x88: {  	v11 =	vld.msk [tilespmem:$0x14B80 ss:$0x0], $0xffff;
	_ =	swait.ge [sflag:s0], $0x4000  }
0x89: {  	s30 =	simm.s32 $0x0;
	[sflag:s0] =	ssyncset.done $0x0  }
0x8a: {  	s20 =	simm.s32 $0x0;
	s9 =	sand.u32 $0x40, s30;
	[sflag:s0] =	ssyncadd.s32 $0xFFFFC000  }
0x8b: {  	s10 =	sand.u32 $0x380, s30;
	s22 =	sor.u32 $0x30, s9;
	v12 =	vld [tilespmem:s20+$0x14000]  }
0x8c: {  	s4 =	sor.u32 s10, s22;
	v13 =	vld [tilespmem:s20+$0x14400]  }
0x8d: {  	s7 =	sor.u32 $0x20, s9;
	v17 =	vld [tilespmem:s4+$0x14000]  }
0x8e: {  	s3 =	sand.u32 $0xE00, s30;
	s1 =	rddreg [dreg:$0x6];
	s16 =	sor.u32 s10, s7;
	v20 =	vld [tilespmem:s4+$0x14400]  }
0x8f: {  	s11 =	sadd.s32 s3, s1;
	v27 =	vld [tilespmem:s16+$0x14000]  }
0x90: {  	s5 =	sadd.s32 s22, s11;
	v62 =	vld [tilespmem:s16+$0x14400]  }
0x91: {  	s23 =	sadd.s32 s9, s11;
	v14 =	vld [tilespmem:s5+$0x0]  }
0x92: {  	v15 =	vld [tilespmem:s23+$0x0]  }
0x93: {  	v16 =	vld [tilespmem:s23+$0x80]  }
0x94: {  	v18 =	vld [tilespmem:s5+$0x80]  }
0x95: {  	v19 =	vld [tilespmem:s23+$0x100]  }
0x96: {  	s6 =	sor.u32 $0x10, s9;
	v21 =	vld [tilespmem:s23+$0x180]  }
0x97: {  	s12 =	sadd.s32 s6, s11;
	v22 =	vld [tilespmem:s5+$0x100];
	v14 =	vmul.f32 v14, v4  }
0x98: {  	v23 =	vld [tilespmem:s12+$0x0]  }
0x99: {  	v24 =	vld [tilespmem:s12+$0x80];
	v14 =	vsub.f32 v14, v5  }
0x9a: {  	v25 =	vld [tilespmem:s12+$0x100]  }
0x9b: {  	s14 =	sadd.s32 s7, s11;
	v26 =	vld [tilespmem:s5+$0x180];
	v18 =	vmul.f32 v18, v6;
	v14 =	vmul.f32 v14, v17  }
0x9c: {  	s31 =	sadd.s32 $0x4000, s28;
	v56 =	vld [tilespmem:s14+$0x0]  }
0x9d: {  	s0 =	sadd.s32 s3, s31;
	v57 =	vld [tilespmem:s14+$0x80];
	v18 =	vsub.f32 v18, v7;
	v14 =	vadd.f32 v14, v20  }
0x9e: {  	s4 =	sadd.s32 $0x1000, s0;
	s26 =	sadd.s32 s22, s0;
	v58 =	vld [tilespmem:s14+$0x100]  }
0x9f: {  	s3 =	sadd.s32 $0x2000, s0;
	s13 =	sadd.s32 s22, s4;
	v22 =	vmul.f32 v22, v8;
	v18 =	vmul.f32 v18, v17;
	[tilespmem:s26+$0x0] =	vst.add.f32.msk $0xffff, v14  }
0xa0: {  	s2 =	sadd.s32 $0x3000, s0;
	s15 =	sadd.s32 s22, s3;
	[tilespmem:s13+$0x0] =	vst.add.f32.msk $0xffff, v14  }
0xa1: {  	s1 =	sadd.s32 s22, s2;
	v22 =	vsub.f32 v22, v9;
	v18 =	vadd.f32 v18, v20;
	[tilespmem:s15+$0x0] =	vst.add.f32.msk $0xffff, v14  }
0xa2: {  	[tilespmem:s1+$0x0] =	vst.add.f32.msk $0xffff, v14  }
0xa3: {  	v14 =	vmul.f32 v22, v17;
	[tilespmem:s26+$0x80] =	vst.add.f32.msk $0xffff, v18  }
0xa4: {  	[tilespmem:s13+$0x80] =	vst.add.f32.msk $0xffff, v18  }
0xa5: {  	v55 =	vmul.f32 v26, v10;
	v14 =	vadd.f32 v14, v20;
	[tilespmem:s15+$0x80] =	vst.add.f32.msk $0xffff, v18  }
0xa6: {  	[tilespmem:s1+$0x80] =	vst.add.f32.msk $0xffff, v18  }
0xa7: {  	v22 =	vsub.f32 v55, v11;
	[tilespmem:s26+$0x100] =	vst.add.f32.msk $0xffff, v14  }
0xa8: {  	[tilespmem:s13+$0x100] =	vst.add.f32.msk $0xffff, v14  }
0xa9: {  	v17 =	vmul.f32 v22, v17;
	[tilespmem:s15+$0x100] =	vst.add.f32.msk $0xffff, v14  }
0xaa: {  	[tilespmem:s1+$0x100] =	vst.add.f32.msk $0xffff, v14;
	v14 =	vmul.f32 v15, v4  }
0xab: {  	v59 =	vld [tilespmem:s14+$0x180];
	v17 =	vadd.f32 v17, v20  }
0xac: {  	v15 =	vld [tilespmem:s12+$0x180];
	v14 =	vsub.f32 v14, v5  }
0xad: {  	[tilespmem:s26+$0x180] =	vst.add.f32.msk $0xffff, v17  }
0xae: {  	[tilespmem:s13+$0x180] =	vst.add.f32.msk $0xffff, v17;
	v14 =	vmul.f32 v14, v12  }
0xaf: {  	v16 =	vmul.f32 v16, v6;
	[tilespmem:s15+$0x180] =	vst.add.f32.msk $0xffff, v17  }
0xb0: {  	s15 =	sor.u32 s10, s6;
	[tilespmem:s1+$0x180] =	vst.add.f32.msk $0xffff, v17;
	v14 =	vadd.f32 v14, v13  }
0xb1: {  	s17 =	sadd.s32 s9, s0;
	v16 =	vsub.f32 v16, v7;
	v60 =	vld [tilespmem:s15+$0x14000]  }
0xb2: {  	s18 =	sadd.s32 s9, s4;
	[tilespmem:s17+$0x0] =	vst.add.f32.msk $0xffff, v14  }
0xb3: {  	s19 =	sadd.s32 s9, s3;
	v19 =	vmul.f32 v19, v8;
	v16 =	vmul.f32 v16, v12;
	[tilespmem:s18+$0x0] =	vst.add.f32.msk $0xffff, v14  }
0xb4: {  	s9 =	sadd.s32 s9, s2;
	[tilespmem:s19+$0x0] =	vst.add.f32.msk $0xffff, v14  }
0xb5: {  	v16 =	vadd.f32 v16, v13;
	[tilespmem:s9+$0x0] =	vst.add.f32.msk $0xffff, v14;
	v14 =	vsub.f32 v19, v9  }
0xb6: {  	v61 =	vld [tilespmem:s15+$0x14400]  }
0xb7: {  	v21 =	vmul.f32 v21, v10;
	[tilespmem:s17+$0x80] =	vst.add.f32.msk $0xffff, v16;
	v14 =	vmul.f32 v14, v12  }
0xb8: {  	[tilespmem:s18+$0x80] =	vst.add.f32.msk $0xffff, v16  }
0xb9: {  	v21 =	vsub.f32 v21, v11;
	[tilespmem:s19+$0x80] =	vst.add.f32.msk $0xffff, v16;
	v14 =	vadd.f32 v14, v13  }
0xba: {  	[tilespmem:s9+$0x80] =	vst.add.f32.msk $0xffff, v16  }
0xbb: {  	v23 =	vmul.f32 v23, v4;
	v12 =	vmul.f32 v21, v12;
	[tilespmem:s17+$0x100] =	vst.add.f32.msk $0xffff, v14  }
0xbc: {  	[tilespmem:s18+$0x100] =	vst.add.f32.msk $0xffff, v14  }
0xbd: {  	v63 =	vsub.f32 v23, v5;
	v12 =	vadd.f32 v12, v13;
	[tilespmem:s19+$0x100] =	vst.add.f32.msk $0xffff, v14  }
0xbe: {  	[tilespmem:s9+$0x100] =	vst.add.f32.msk $0xffff, v14  }
0xbf: {  	v13 =	vmul.f32 v24, v6;
	v14 =	vmul.f32 v63, v60;
	[tilespmem:s17+$0x180] =	vst.add.f32.msk $0xffff, v12  }
0xc0: {  	[tilespmem:s18+$0x180] =	vst.add.f32.msk $0xffff, v12  }
0xc1: {  	v13 =	vsub.f32 v13, v7;
	v14 =	vadd.f32 v14, v61;
	[tilespmem:s19+$0x180] =	vst.add.f32.msk $0xffff, v12  }
0xc2: {  	s20 =	sadd.s32 s6, s0;
	[tilespmem:s9+$0x180] =	vst.add.f32.msk $0xffff, v12  }
0xc3: {  	s22 =	sadd.s32 s6, s4;
	v13 =	vmul.f32 v13, v60;
	v12 =	vmul.f32 v25, v8;
	[tilespmem:s20+$0x0] =	vst.add.f32.msk $0xffff, v14  }
0xc4: {  	s23 =	sadd.s32 s6, s3;
	[tilespmem:s22+$0x0] =	vst.add.f32.msk $0xffff, v14  }
0xc5: {  	s6 =	sadd.s32 s6, s2;
	v13 =	vadd.f32 v13, v61;
	v12 =	vsub.f32 v12, v9;
	[tilespmem:s23+$0x0] =	vst.add.f32.msk $0xffff, v14  }
0xc6: {  	[tilespmem:s6+$0x0] =	vst.add.f32.msk $0xffff, v14  }
0xc7: {  	v14 =	vmul.f32 v15, v10;
	v12 =	vmul.f32 v12, v60;
	[tilespmem:s20+$0x80] =	vst.add.f32.msk $0xffff, v13  }
0xc8: {  	[tilespmem:s22+$0x80] =	vst.add.f32.msk $0xffff, v13  }
0xc9: {  	v14 =	vsub.f32 v14, v11;
	v12 =	vadd.f32 v12, v61;
	[tilespmem:s23+$0x80] =	vst.add.f32.msk $0xffff, v13  }
0xca: {  	[tilespmem:s6+$0x80] =	vst.add.f32.msk $0xffff, v13  }
0xcb: {  	v13 =	vmul.f32 v56, v4;
	v14 =	vmul.f32 v14, v60;
	[tilespmem:s20+$0x100] =	vst.add.f32.msk $0xffff, v12  }
0xcc: {  	[tilespmem:s22+$0x100] =	vst.add.f32.msk $0xffff, v12  }
0xcd: {  	v13 =	vsub.f32 v13, v5;
	v14 =	vadd.f32 v14, v61;
	[tilespmem:s23+$0x100] =	vst.add.f32.msk $0xffff, v12  }
0xce: {  	[tilespmem:s6+$0x100] =	vst.add.f32.msk $0xffff, v12  }
0xcf: {  	v12 =	vmul.f32 v57, v6;
	v13 =	vmul.f32 v13, v27;
	[tilespmem:s20+$0x180] =	vst.add.f32.msk $0xffff, v14  }
0xd0: {  	[tilespmem:s22+$0x180] =	vst.add.f32.msk $0xffff, v14  }
0xd1: {  	v12 =	vsub.f32 v12, v7;
	v13 =	vadd.f32 v13, v62;
	[tilespmem:s23+$0x180] =	vst.add.f32.msk $0xffff, v14  }
0xd2: {  	s26 =	sadd.s32 s7, s0;
	[tilespmem:s6+$0x180] =	vst.add.f32.msk $0xffff, v14  }
0xd3: {  	s10 =	sadd.s32 s7, s4;
	v14 =	vmul.f32 v58, v8;
	v12 =	vmul.f32 v12, v27;
	[tilespmem:s26+$0x0] =	vst.add.f32.msk $0xffff, v13  }
0xd4: {  	s11 =	sadd.s32 s7, s3;
	[tilespmem:s10+$0x0] =	vst.add.f32.msk $0xffff, v13  }
0xd5: {  	s8 =	sadd.s32 s7, s2;
	v14 =	vsub.f32 v14, v9;
	v12 =	vadd.f32 v12, v62;
	[tilespmem:s11+$0x0] =	vst.add.f32.msk $0xffff, v13  }
0xd6: {  	[tilespmem:s8+$0x0] =	vst.add.f32.msk $0xffff, v13  }
0xd7: {  	v13 =	vmul.f32 v59, v10;
	v14 =	vmul.f32 v14, v27;
	[tilespmem:s26+$0x80] =	vst.add.f32.msk $0xffff, v12  }
0xd8: {  	[tilespmem:s10+$0x80] =	vst.add.f32.msk $0xffff, v12  }
0xd9: {  	v13 =	vsub.f32 v13, v11;
	v14 =	vadd.f32 v14, v62;
	[tilespmem:s11+$0x80] =	vst.add.f32.msk $0xffff, v12  }
0xda: {  	[tilespmem:s8+$0x80] =	vst.add.f32.msk $0xffff, v12  }
0xdb: {  	v12 =	vmul.f32 v13, v27;
	[tilespmem:s26+$0x100] =	vst.add.f32.msk $0xffff, v14  }
0xdc: {  	[tilespmem:s10+$0x100] =	vst.add.f32.msk $0xffff, v14  }
0xdd: {  	v12 =	vadd.f32 v12, v62;
	[tilespmem:s11+$0x100] =	vst.add.f32.msk $0xffff, v14  }
0xde: {  	[tilespmem:s8+$0x100] =	vst.add.f32.msk $0xffff, v14  }
0xdf: {  	s3 =	simm.s32 $0x0;
	s0 =	simm.s32 $0x0;
	[tilespmem:s26+$0x180] =	vst.add.f32.msk $0xffff, v12  }
.LBB2_7:
0xe0: {  	[tilespmem:s10+$0x180] =	vst.add.f32.msk $0xffff, v12  }
0xe1: {  	s1 =	rddreg [dreg:$0x6];
	s30 =	sadd.s32 $0x100, s30;
	s3 =	sadd.s32 $0x40, s3;
	[tilespmem:s11+$0x180] =	vst.add.f32.msk $0xffff, v12  }
0xe2: {  	s5 =	sand.u32 $0x40, s3;
	s4 =	sshra.s32 s30, $0x2;
	s6 =	sand.u32 $0xE00, s30;
	[tilespmem:s8+$0x180] =	vst.add.f32.msk $0xffff, v12  }
0xe3: {  	v12 =	vld [tilespmem:s4+$0x14000];
	s1 =	sadd.s32 s6, s1;
	s9 =	sor.u32 $0x30, s5  }
0xe4: {  	v13 =	vld [tilespmem:s4+$0x14400];
	s20 =	sadd.s32 s9, s1  }
0xe5: {  	s19 =	sadd.s32 s5, s1;
	v14 =	vld [tilespmem:s20+$0x0]  }
0xe6: {  	s26 =	sand.u32 $0x380, s3;
	s8 =	sor.u32 $0x10, s5;
	s12 =	sor.u32 $0x20, s5;
	v15 =	vld [tilespmem:s19+$0x0]  }
0xe7: {  	s23 =	sadd.s32 s8, s1;
	s22 =	sadd.s32 s12, s1;
	s1 =	sor.u32 s26, s9;
	v16 =	vld [tilespmem:s19+$0x80]  }
0xe8: {  	v17 =	vld [tilespmem:s1+$0x14000]  }
0xe9: {  	v18 =	vld [tilespmem:s20+$0x80]  }
0xea: {  	v19 =	vld [tilespmem:s19+$0x100]  }
0xeb: {  	v20 =	vld [tilespmem:s1+$0x14400]  }
0xec: {  	v21 =	vld [tilespmem:s19+$0x180]  }
0xed: {  	v22 =	vld [tilespmem:s20+$0x100]  }
0xee: {  	v23 =	vld [tilespmem:s23+$0x0]  }
0xef: {  	v24 =	vld [tilespmem:s23+$0x80]  }
0xf0: {  	v25 =	vld [tilespmem:s23+$0x100]  }
0xf1: {  	v26 =	vld [tilespmem:s20+$0x180]  }
0xf2: {  	v53 =	vld [tilespmem:s22+$0x0];
	v14 =	vmul.f32 v14, v4  }
0xf3: {  	v54 =	vld [tilespmem:s22+$0x80];
	v15 =	vmul.f32 v15, v4  }
0xf4: {  	v55 =	vld [tilespmem:s22+$0x100];
	v14 =	vsub.f32 v14, v5  }
0xf5: {  	s4 =	sor.u32 s26, s8;
	v56 =	vld [tilespmem:s22+$0x180];
	v15 =	vsub.f32 v15, v5  }
0xf6: {  	s13 =	sor.u32 s26, s12;
	v57 =	vld [tilespmem:s4+$0x14000];
	v14 =	vmul.f32 v14, v17  }
0xf7: {  	v58 =	vld [tilespmem:s13+$0x14000];
	v15 =	vmul.f32 v15, v12  }
0xf8: {  	s2 =	sadd.s32 s6, s31;
	v59 =	vld [tilespmem:s4+$0x14400];
	v14 =	vadd.f32 v14, v20  }
0xf9: {  	s1 =	sadd.s32 s9, s2;
	v27 =	vld [tilespmem:s13+$0x14400];
	v15 =	vadd.f32 v15, v13  }
0xfa: {  	s18 =	sadd.s32 s5, s2;
	s10 =	sadd.s32 $0x1000, s2;
	v18 =	vmul.f32 v18, v6;
	[tilespmem:s1+$0x0] =	vst.add.f32.msk $0xffff, v14  }
0xfb: {  	s7 =	sadd.s32 s9, s10;
	v16 =	vmul.f32 v16, v6;
	[tilespmem:s18+$0x0] =	vst.add.f32.msk $0xffff, v15  }
0xfc: {  	s11 =	sadd.s32 $0x2000, s2;
	s19 =	sadd.s32 s5, s10;
	v18 =	vsub.f32 v18, v7;
	[tilespmem:s7+$0x0] =	vst.add.f32.msk $0xffff, v14  }
0xfd: {  	s26 =	sadd.s32 s9, s11;
	v16 =	vsub.f32 v16, v7;
	[tilespmem:s19+$0x0] =	vst.add.f32.msk $0xffff, v15  }
0xfe: {  	s14 =	sadd.s32 $0x3000, s2;
	s6 =	sadd.s32 s5, s11;
	v18 =	vmul.f32 v18, v17;
	[tilespmem:s26+$0x0] =	vst.add.f32.msk $0xffff, v14  }
0xff: {  	s20 =	sadd.s32 s9, s14;
	v16 =	vmul.f32 v16, v12;
	[tilespmem:s6+$0x0] =	vst.add.f32.msk $0xffff, v15  }
0x100: {  	s5 =	sadd.s32 s5, s14;
	v18 =	vadd.f32 v18, v20;
	[tilespmem:s20+$0x0] =	vst.add.f32.msk $0xffff, v14  }
0x101: {  	v16 =	vadd.f32 v16, v13;
	[tilespmem:s5+$0x0] =	vst.add.f32.msk $0xffff, v15  }
0x102: {  	v22 =	vmul.f32 v22, v8;
	[tilespmem:s1+$0x80] =	vst.add.f32.msk $0xffff, v18  }
0x103: {  	v19 =	vmul.f32 v19, v8;
	[tilespmem:s18+$0x80] =	vst.add.f32.msk $0xffff, v16  }
0x104: {  	v22 =	vsub.f32 v22, v9;
	[tilespmem:s7+$0x80] =	vst.add.f32.msk $0xffff, v18  }
0x105: {  	v19 =	vsub.f32 v19, v9;
	[tilespmem:s19+$0x80] =	vst.add.f32.msk $0xffff, v16  }
0x106: {  	v22 =	vmul.f32 v22, v17;
	[tilespmem:s26+$0x80] =	vst.add.f32.msk $0xffff, v18  }
0x107: {  	v19 =	vmul.f32 v19, v12;
	[tilespmem:s6+$0x80] =	vst.add.f32.msk $0xffff, v16  }
0x108: {  	v21 =	vmul.f32 v21, v10;
	v22 =	vadd.f32 v22, v20;
	[tilespmem:s20+$0x80] =	vst.add.f32.msk $0xffff, v18  }
0x109: {  	v19 =	vadd.f32 v19, v13;
	[tilespmem:s5+$0x80] =	vst.add.f32.msk $0xffff, v16  }
0x10a: {  	v24 =	vmul.f32 v24, v6;
	v52 =	vmul.f32 v26, v10;
	v21 =	vsub.f32 v21, v11;
	[tilespmem:s1+$0x100] =	vst.add.f32.msk $0xffff, v22  }
0x10b: {  	[tilespmem:s18+$0x100] =	vst.add.f32.msk $0xffff, v19  }
0x10c: {  	v12 =	vmul.f32 v21, v12;
	v14 =	vsub.f32 v24, v7;
	v24 =	vsub.f32 v52, v11;
	[tilespmem:s7+$0x100] =	vst.add.f32.msk $0xffff, v22  }
0x10d: {  	[tilespmem:s19+$0x100] =	vst.add.f32.msk $0xffff, v19  }
0x10e: {  	v13 =	vadd.f32 v12, v13;
	v12 =	vmul.f32 v24, v17;
	v17 =	vmul.f32 v53, v4;
	[tilespmem:s26+$0x100] =	vst.add.f32.msk $0xffff, v22  }
0x10f: {  	[tilespmem:s6+$0x100] =	vst.add.f32.msk $0xffff, v19  }
0x110: {  	v12 =	vadd.f32 v12, v20;
	v17 =	vsub.f32 v17, v5;
	[tilespmem:s20+$0x100] =	vst.add.f32.msk $0xffff, v22  }
0x111: {  	[tilespmem:s5+$0x100] =	vst.add.f32.msk $0xffff, v19  }
0x112: {  	v17 =	vmul.f32 v17, v58;
	[tilespmem:s1+$0x180] =	vst.add.f32.msk $0xffff, v12  }
0x113: {  	s15 =	sadd.s32 s8, s10;
	s17 =	sadd.s32 s8, s11;
	[tilespmem:s18+$0x180] =	vst.add.f32.msk $0xffff, v13  }
0x114: {  	s16 =	sadd.s32 s8, s14;
	s10 =	sadd.s32 s12, s10;
	s9 =	sadd.s32 s8, s2;
	v17 =	vadd.f32 v17, v27;
	[tilespmem:s7+$0x180] =	vst.add.f32.msk $0xffff, v12  }
0x115: {  	s11 =	sadd.s32 s12, s11;
	s8 =	sadd.s32 s12, s14;
	s12 =	sadd.s32 s12, s2;
	v23 =	vmul.f32 v23, v4;
	[tilespmem:s19+$0x180] =	vst.add.f32.msk $0xffff, v13  }
0x116: {  	[tilespmem:s12+$0x0] =	vst.add.f32.msk $0xffff, v17  }
0x117: {  	v50 =	vsub.f32 v23, v5;
	[tilespmem:s26+$0x180] =	vst.add.f32.msk $0xffff, v12  }
0x118: {  	[tilespmem:s6+$0x180] =	vst.add.f32.msk $0xffff, v13  }
0x119: {  	v21 =	vmul.f32 v50, v57;
	[tilespmem:s10+$0x0] =	vst.add.f32.msk $0xffff, v17  }
0x11a: {  	v18 =	vmul.f32 v54, v6;
	[tilespmem:s20+$0x180] =	vst.add.f32.msk $0xffff, v12  }
0x11b: {  	v15 =	vadd.f32 v21, v59;
	v12 =	vld [tilespmem:s23+$0x180]  }
0x11c: {  	v18 =	vsub.f32 v18, v7;
	[tilespmem:s5+$0x180] =	vst.add.f32.msk $0xffff, v13  }
0x11d: {  	[tilespmem:s9+$0x0] =	vst.add.f32.msk $0xffff, v15  }
0x11e: {  	v18 =	vmul.f32 v18, v58;
	[tilespmem:s11+$0x0] =	vst.add.f32.msk $0xffff, v17  }
0x11f: {  	[tilespmem:s15+$0x0] =	vst.add.f32.msk $0xffff, v15  }
0x120: {  	v18 =	vadd.f32 v18, v27;
	[tilespmem:s8+$0x0] =	vst.add.f32.msk $0xffff, v17  }
0x121: {  	v14 =	vmul.f32 v14, v57;
	[tilespmem:s17+$0x0] =	vst.add.f32.msk $0xffff, v15  }
0x122: {  	v20 =	vmul.f32 v55, v8;
	[tilespmem:s12+$0x80] =	vst.add.f32.msk $0xffff, v18  }
0x123: {  	v14 =	vadd.f32 v14, v59;
	[tilespmem:s16+$0x0] =	vst.add.f32.msk $0xffff, v15  }
0x124: {  	v20 =	vsub.f32 v20, v9;
	[tilespmem:s10+$0x80] =	vst.add.f32.msk $0xffff, v18  }
0x125: {  	v51 =	vmul.f32 v25, v8;
	[tilespmem:s9+$0x80] =	vst.add.f32.msk $0xffff, v14  }
0x126: {  	v20 =	vmul.f32 v20, v58;
	[tilespmem:s11+$0x80] =	vst.add.f32.msk $0xffff, v18  }
0x127: {  	v23 =	vsub.f32 v51, v9;
	[tilespmem:s15+$0x80] =	vst.add.f32.msk $0xffff, v14  }
0x128: {  	v63 =	vadd.f32 v20, v27;
	[tilespmem:s8+$0x80] =	vst.add.f32.msk $0xffff, v18  }
0x129: {  	v23 =	vmul.f32 v23, v57;
	[tilespmem:s17+$0x80] =	vst.add.f32.msk $0xffff, v14  }
0x12a: {  	[tilespmem:s12+$0x100] =	vst.add.f32.msk $0xffff, v63  }
0x12b: {  	v61 =	vadd.f32 v23, v59;
	v12 =	vmul.f32 v12, v10;
	[tilespmem:s16+$0x80] =	vst.add.f32.msk $0xffff, v14  }
0x12c: {  	v22 =	vmul.f32 v56, v10;
	[tilespmem:s10+$0x100] =	vst.add.f32.msk $0xffff, v63  }
0x12d: {  	v12 =	vsub.f32 v12, v11;
	[tilespmem:s9+$0x100] =	vst.add.f32.msk $0xffff, v61  }
0x12e: {  	v22 =	vsub.f32 v22, v11;
	[tilespmem:s11+$0x100] =	vst.add.f32.msk $0xffff, v63  }
0x12f: {  	v12 =	vmul.f32 v12, v57;
	[tilespmem:s15+$0x100] =	vst.add.f32.msk $0xffff, v61  }
0x130: {  	v60 =	vmul.f32 v22, v58;
	[tilespmem:s8+$0x100] =	vst.add.f32.msk $0xffff, v63  }
0x131: {  	s0 =	sadd.s32 $0x4, s0;
	[tilespmem:s17+$0x100] =	vst.add.f32.msk $0xffff, v61;
	v62 =	vadd.f32 v12, v59  }
0x132: {  	p0 =	slt.u32 s0, $0x3C;
	v12 =	vadd.f32 v60, v27;
	[tilespmem:s16+$0x100] =	vst.add.f32.msk $0xffff, v61  }
.Ltmp2:
0x133: {  	[tilespmem:s9+$0x180] =	vst.add.f32.msk $0xffff, v62;
	(pc) =	sbr.rel @p0 .LBB2_7-.Ltmp2, $4  }
0x134: {  	[tilespmem:s12+$0x180] =	vst.add.f32.msk $0xffff, v12  }
0x135: {  	[tilespmem:s15+$0x180] =	vst.add.f32.msk $0xffff, v62  }
0x136: {  	[tilespmem:s17+$0x180] =	vst.add.f32.msk $0xffff, v62  }
0x137: {  	[tilespmem:s16+$0x180] =	vst.add.f32.msk $0xffff, v62  }
0x138: {  	[tilespmem:s10+$0x180] =	vst.add.f32.msk $0xffff, v12  }
0x139: {  	s0 =	sshll.u32 s25, $0x9;
	[tilespmem:s11+$0x180] =	vst.add.f32.msk $0xffff, v12  }
0x13a: {  	s0 =	sand.u32 $0x1C00, s0;
	s1 =	rddreg [dreg:$0x15];
	[tilespmem:s8+$0x180] =	vst.add.f32.msk $0xffff, v12  }
0x13b: {  	s23 =	sadd.s32 $0x9, s29;
	s0 =	sor.u32 s1, s0;
	s2 =	rddreg [dreg:$0xe]  }
0x13c: {  	s4 =	simm.s32 $0x200;
	s25 =	sadd.s32 $0x1, s25;
	s0 =	sadd.s32 s0, s2  }
0x13d: {  	[hbm4b:s0+s4] =	stream.strided.scatter [tilespmem:s31], [sflag:s23], $0x1000, s21, s4, $0x38;
	[tilespmem:$0x14C00] =	vst v63  }
0x13e: {  	s26 =	sadd.s32 $0x5000, s28;
	p0 =	sne.s32 s25, $0x10;
	s3 =	sadd.s32 $0x40000, s0  }
0x13f: {  	[hbm4b:s3+s4] =	stream.strided.scatter [tilespmem:s26], [sflag:s23], $0x1000, s21, s4, $0x38;
	[tilespmem:$0x14C00] =	vst v63  }
.Ltmp3:
0x140: {  	_ = 	snop;
	(pc) =	sbr.rel @p0 .LBB2_2-.Ltmp3, $4  }
0x141: {  	s29 =	sadd.s32 $0x6000, s28;
	s30 =	sadd.s32 $0x80000, s0  }
0x142: {  	[hbm4b:s30+s4] =	stream.strided.scatter [tilespmem:s29], [sflag:s23], $0x1000, s21, s4, $0x38;
	[tilespmem:$0x14C00] =	vst v63  }
0x143: {  	s24 =	sadd.s32 $0x1, s24;
	s31 =	sadd.s32 $0x7000, s28;
	s0 =	sadd.s32 $0xC0000, s0  }
0x144: {  	[hbm4b:s0+s4] =	stream.strided.scatter [tilespmem:s31], [sflag:s23], $0x1000, s21, s4, $0x38;
	[tilespmem:$0x14C00] =	vst v63  }
0x145: {  	s0 =	simm.s32 $0xB  }
0x146: {  	_ =	swait.ge [sflag:s0], $0x4000  }
0x147: {  	[sflag:s0] =	ssyncset.done $0x0  }
0x148: {  	s1 =	simm.s32 $0xC;
	[sflag:s0] =	ssyncadd.s32 $0xFFFFC000  }
0x149: {  	_ =	swait.ge [sflag:s1], $0x4000  }
0x14a: {  	s2 =	rddreg [dreg:$0x14]  }
0x14b: {  	s31 =	rddreg [dreg:$0xf];
	s2 =	sadd.s32 $0x1, s2  }
0x14c: {  	p0 =	sne.s32 s2, s31  }
.Ltmp4:
0x14d: {  	_ = 	snop;
	(pc) =	sbr.rel @p0 .LBB2_1-.Ltmp4, $3  }
0x14e: {  	_ =	sdelay $0x1  }
0x14f: {  	[sflag:s1] =	ssyncset.done $0x0  }
0x150: {  	[sflag:s1] =	ssyncadd.s32 $0xFFFFC000  }
0x151: {  	_ =	sfence.sel $0x180000  }
0x152: {  	[bflag:$0x0] =	sbarrier.arrive $0xFFFF  }
0x153: {  	_ =	strace $0x90000047  }
0x154: {  	s0 =	stileid.u32;
	[bflag:$0x2] =	sbarrier.arrive $0xFFFF  }
0x155: {  	p0 =	sne.s32 s0, $0x0;
	s0 =	rddreg [dreg:$0x5]  }
0x156: {  	s0 =	sadd.s32 @!p0 $0x100000, s0  }
0x157: {  	[sflag:s0] =	ssyncadd.tile.s32 @!p0 $0x1;
	_ =	shalt  }
.Lfunc_end2:
_tile_overlayer_lowered:
.L_overlay_start_2:
0x158: {  	(tag) =	ssettag $0x2  }
0x159: {  	s0 =	rddreg [dreg:$0x0];
	s2 =	stileid.u32  }
0x15a: {  	s1 =	rddreg [dreg:$0x1];
	p0 =	sne.s32 s2, $0x0  }
0x15b: {  	s3 =	rddreg [dreg:$0x2];
	[bflag:$0x3] =	sbarrier.arrive $0xFFFF;
	s2 =	simm.s32 @!p0 $0x1C0D  }
0x15c: {  	[timem:s3], [sflag:s2] =	dma.local @!p0 [hbm:s0], s1  }
0x15d: {  	s0 =	simm.s32 @!p0 $0xD  }
0x15e: {  	_ =	swait.ge @!p0 [sflag:s0], s1  }
0x15f: {  	s1 =	ssub.s32 @!p0 $0x0, s1;
	[sflag:s0] =	ssyncset.done @!p0 $0x0  }
0x160: {  	[sflag:s0] =	ssyncadd.s32 @!p0 s1  }
0x161: {  	[bflag:$0x3] =	sbarrier.arrive $0xFFFF  }
0x162: {  	_ =	shalt  }

</sc_bundles>
